<compile_context>
chip_gen: v7x
topology: tpu7x:2x2x1
jax: 0.10.2.dev20260603
libtpu: 0.0.44.dev20260713+nightly
codegen_flags: <defaults>
</compile_context>

<pallas_src>
import functools

import jax
import jax.numpy as jnp
from jax import lax
from jax.experimental import pallas as pl
from jax.experimental.pallas import tpu as pltpu
from jax.experimental.pallas import tpu_sc as plsc

_N = 10000
_C = 128
_E = 320000
_EPS = 1e-5

_NC = 2
_NS = 16
_NW = _NC * _NS
_K = 128
_EPW = _E // _NW
_FULL = 78
_REM = _EPW - _FULL * _K
_EPAD = _E + 4 * _K
_NB = 3
_NI = 6
_NP = _N
_RPT = 624
_TAIL = _N - _RPT * _NS

_mesh = plsc.VectorSubcoreMesh(core_axis_name="c", subcore_axis_name="s")


@functools.partial(
    pl.kernel,
    out_type=jax.ShapeDtypeStruct((_NC, _N, _C), jnp.float32),
    mesh=_mesh,
    scratch_types=(
        [pltpu.VMEM((_K,), jnp.int32)] * _NI +
        [pltpu.VMEM((_K,), jnp.int32)] * _NI +
        [pltpu.VMEM((_K, _C), jnp.float32)] * _NB +
        [pltpu.VMEM((_REM,), jnp.int32)] * 2 +
        [pltpu.VMEM_SHARED((_NP, _C), jnp.float32)] +
        [pltpu.SemaphoreType.DMA] * (2 * _NB + _NI)
    ),
)
def _sc_segment_sum(srce_ref, dste_ref, wedge_ref, out_ref, *refs):
    si = refs[0:_NI]
    di = refs[_NI:2 * _NI]
    rows = refs[2 * _NI:2 * _NI + _NB]
    sit, dit = refs[2 * _NI + _NB:2 * _NI + _NB + 2]
    acc_sh = refs[2 * _NI + _NB + 2]
    sems = refs[2 * _NI + _NB + 3:]
    g = sems[0:_NB]
    ss = sems[_NB:2 * _NB]
    gi = sems[2 * _NB:]

    cid = lax.axis_index("c")
    sid = lax.axis_index("s")
    wid = cid * _NS + sid
    e0 = wid * _EPW

    def idx_start(c, q):
        base = e0 + c * _K
        pltpu.async_copy(srce_ref.at[pl.ds(base, _K)], si[q], gi[q])
        pltpu.async_copy(dste_ref.at[pl.ds(base, _K)], di[q], gi[q])

    def idx_wait(q):
        pltpu.make_async_copy(srce_ref.at[pl.ds(0, _K)], si[q], gi[q]).wait()
        pltpu.make_async_copy(dste_ref.at[pl.ds(0, _K)], di[q], gi[q]).wait()

    def g_start(b, q):
        pltpu.async_copy(wedge_ref.at[si[q]], rows[b], g[b])

    def g_wait(b, q):
        pltpu.make_async_copy(wedge_ref.at[si[q]], rows[b], g[b]).wait()

    def s_start(b, q):
        pltpu.async_copy(rows[b], acc_sh.at[di[q]], ss[b], add=True)

    def s_wait(b, q):
        pltpu.make_async_copy(rows[b], acc_sh.at[di[q]], ss[b]).wait()

    for c in range(4):
        idx_start(c, c)
    idx_wait(0)
    g_start(0, 0)
    idx_wait(1)
    g_start(1, 1)

    zv = jnp.zeros((16,), jnp.float32)

    def zfill(r, carry):
        for l in range(_C // 16):
            rows[2][r, pl.ds(l * 16, 16)] = zv
        return carry

    lax.fori_loop(0, _K, zfill, 0)
    r0 = sid * _RPT
    for t in range(4):
        pltpu.sync_copy(rows[2], acc_sh.at[pl.ds(r0 + t * _K, _K)])
    pltpu.sync_copy(rows[2].at[pl.ds(0, _RPT - 4 * _K)],
                    acc_sh.at[pl.ds(r0 + 4 * _K, _RPT - 4 * _K)])

    @pl.when(sid == _NS - 1)
    def _():
        t0 = _RPT * _NS
        pltpu.sync_copy(rows[2].at[pl.ds(0, _NP - t0)],
                        acc_sh.at[pl.ds(t0, _NP - t0)])

    plsc.subcore_barrier()

    def step(i, k):
        c = 6 * i + k
        g_wait(k % _NB, k)
        s_start(k % _NB, k)
        if k == 0:
            @pl.when(i > 0)
            def _():
                s_wait((k - 1) % _NB, (k - 1) % _NI)
        else:
            s_wait((k - 1) % _NB, (k - 1) % _NI)
        idx_wait((k + 2) % _NI)
        g_start((k + 2) % _NB, (k + 2) % _NI)
        idx_start(c + 4, (k + 4) % _NI)

    def body(i, carry):
        for k in range(6):
            step(i, k)
        return carry

    lax.fori_loop(0, _FULL // 6, body, 0)
    s_wait((_FULL - 1) % _NB, (_FULL - 1) % _NI)
    g_wait(_FULL % _NB, _FULL % _NI)
    g_wait((_FULL + 1) % _NB, (_FULL + 1) % _NI)
    idx_wait((_FULL + 2) % _NI)
    idx_wait((_FULL + 3) % _NI)

    tbase = e0 + _FULL * _K
    pltpu.sync_copy(srce_ref.at[pl.ds(tbase, _REM)], sit)
    pltpu.sync_copy(dste_ref.at[pl.ds(tbase, _REM)], dit)
    pltpu.async_copy(wedge_ref.at[sit], rows[0].at[pl.ds(0, _REM)],
                     g[0]).wait()
    pltpu.sync_copy(rows[0].at[pl.ds(0, _REM)], acc_sh.at[dit], add=True)

    plsc.subcore_barrier()
    pltpu.sync_copy(acc_sh.at[pl.ds(r0, _RPT)],
                    out_ref.at[cid, pl.ds(r0, _RPT)])

    @pl.when(sid == _NS - 1)
    def _():
        t0 = _RPT * _NS
        pltpu.sync_copy(acc_sh.at[pl.ds(t0, _TAIL)],
                        out_ref.at[cid, pl.ds(t0, _TAIL)])


def _mm(a, b):
    return lax.dot_general(a, b, (((1,), (1,)), ((), ())),
                           preferred_element_type=jnp.float32)


def _style(h_in, sty, lW, lb, aWg, aWb, abg, abb, nzs):
    h = _mm(h_in, lW) + lb + nzs
    gamma = _mm(sty, aWg) + abg
    beta = _mm(sty, aWb) + abb
    mu = jnp.mean(h, axis=0, keepdims=True)
    var = jnp.mean((h - mu) * (h - mu), axis=0, keepdims=True)
    hn = (h - mu) * lax.rsqrt(var + _EPS)
    h = gamma * hn + beta
    return jnp.where(h >= 0, h, 0.01 * h)


def _tc1_body(x_ref, style_ref, l0W_ref, l0b_ref, a0Wg_ref, a0Wb_ref,
              a0bg_ref, a0bb_ref, nzs0_ref, xm_ref):
    xm_ref[...] = _style(x_ref[...], style_ref[...], l0W_ref[...],
                         l0b_ref[...], a0Wg_ref[...], a0Wb_ref[...],
                         a0bg_ref[...], a0bb_ref[...], nzs0_ref[...])


_tc1_call = pl.pallas_call(
    _tc1_body,
    out_shape=jax.ShapeDtypeStruct((_N, _C), jnp.float32),
)


def _tc2_body(acc_ref, xm_ref, style_ref, bedge_ref, Wc1_ref, bc1_ref,
              Wc2_ref, bc2_ref,
              l1W_ref, l1b_ref, a1Wg_ref, a1Wb_ref, a1bg_ref, a1bb_ref,
              nzs1_ref,
              l2W_ref, l2b_ref, a2Wg_ref, a2Wb_ref, a2bg_ref, a2bb_ref,
              nzs2_ref, out_ref):
    sty = style_ref[...]
    xm = xm_ref[...]
    out = acc_ref[0] + acc_ref[1] + bedge_ref[...]
    out = out + _mm(out, Wc1_ref[...]) + bc1_ref[...]
    out = out + xm
    out = out + _mm(xm, Wc2_ref[...]) + bc2_ref[...]
    out = jnp.maximum(out, 0.0)
    out = _style(out, sty, l1W_ref[...], l1b_ref[...], a1Wg_ref[...],
                 a1Wb_ref[...], a1bg_ref[...], a1bb_ref[...], nzs1_ref[...])
    out = _style(out, sty, l2W_ref[...], l2b_ref[...], a2Wg_ref[...],
                 a2Wb_ref[...], a2bg_ref[...], a2bb_ref[...], nzs2_ref[...])
    out_ref[...] = out


_tc2_call = pl.pallas_call(
    _tc2_body,
    out_shape=jax.ShapeDtypeStruct((_N, _C), jnp.float32),
)


def kernel(x, edge_index, style, W_edge, b_edge, Wc1, bc1, Wc2, bc2,
           l0W, l0b, a0W, a0b, ns0, nz0,
           l1W, l1b, a1W, a1b, ns1, nz1,
           l2W, l2b, a2W, a2b, ns2, nz2):
    ei = edge_index.astype(jnp.int32)
    npad = _EPAD - _E
    srcp = jnp.concatenate([ei[0], jnp.zeros((npad,), jnp.int32)])
    dstp = jnp.concatenate([ei[1], jnp.zeros((npad,), jnp.int32)])
    acc = _sc_segment_sum(srcp, dstp, W_edge)

    def prep(aW, ab, ns, nz):
        return (aW[:_C], aW[_C:], ab[:_C].reshape(1, _C),
                ab[_C:].reshape(1, _C), (ns * nz).reshape(1, _C))

    a0Wg, a0Wb, a0bg, a0bb, nzs0 = prep(a0W, a0b, ns0, nz0)
    a1Wg, a1Wb, a1bg, a1bb, nzs1 = prep(a1W, a1b, ns1, nz1)
    a2Wg, a2Wb, a2bg, a2bb, nzs2 = prep(a2W, a2b, ns2, nz2)

    xm = _tc1_call(x, style, l0W, l0b.reshape(1, _C), a0Wg, a0Wb,
                   a0bg, a0bb, nzs0)

    return _tc2_call(
        acc, xm, style, b_edge.reshape(1, _C), Wc1, bc1.reshape(1, _C),
        Wc2, bc2.reshape(1, _C),
        l1W, l1b.reshape(1, _C), a1Wg, a1Wb, a1bg, a1bb, nzs1,
        l2W, l2b.reshape(1, _C), a2Wg, a2Wb, a2bg, a2bb, nzs2)

# --- scband reference (transcript-rebuilt; emitter-appended) ---
"""Pipeline reference for scband-style-linkx-67611375173921 (READ-ONLY COPY).

The authoritative reference and input builder live on the scoring server;
editing this copy changes nothing except your own understanding.
"""

import jax, jax.numpy as jnp
import numpy as np

N = 10000
E = 320000
C = 128
EPS = 1e-5


def _linp(k, fi, fo):
    W = jax.random.normal(k, (fo, fi), jnp.float32) / np.sqrt(fi)
    b = jnp.zeros((fo,), jnp.float32)
    return W, b


def _adainp(k):
    # style linear: weight.normal_(), bias[:C]=1, bias[C:]=0
    W = jax.random.normal(k, (2 * C, C), jnp.float32)
    b = jnp.concatenate([jnp.ones((C,), jnp.float32), jnp.zeros((C,), jnp.float32)])
    return W, b


def setup_inputs(seed: int = 0):
    key = jax.random.key(seed)
    ks = jax.random.split(key, 20)
    inp = {}
    inp["x"] = jax.random.normal(ks[0], (N, C), jnp.float32)
    inp["edge_index"] = jax.random.randint(ks[1], (2, E), 0, N)
    inp["style"] = jax.random.normal(ks[2], (N, C), jnp.float32)
    # SparseLinear(num_nodes, hidden)
    inp["W_edge"] = jax.random.normal(ks[3], (N, C), jnp.float32) / np.sqrt(N)
    inp["b_edge"] = jnp.zeros((C,), jnp.float32)
    inp["Wc1"], inp["bc1"] = _linp(ks[4], C, C)
    inp["Wc2"], inp["bc2"] = _linp(ks[5], C, C)
    # 3 StyleLinearLayers (1 node_mlp + 2 final_mlp); all dims collapse to C
    for i, (ka, kb, kc) in enumerate([(ks[6], ks[7], ks[8]), (ks[9], ks[10], ks[11]), (ks[12], ks[13], ks[14])]):
        lW, lb = _linp(ka, C, C)
        aW, ab = _adainp(kb)
        inp[f"l{i}W"], inp[f"l{i}b"] = lW, lb
        inp[f"a{i}W"], inp[f"a{i}b"] = aW, ab
        inp[f"ns{i}"] = jnp.zeros((1,), jnp.float32)  # noise_strength init
        inp[f"nz{i}"] = jax.random.normal(kc, (1, C), jnp.float32)  # fixed noise draw
    return inp


def _style_layer(h_in, style, lW, lb, aW, ab, ns, nz):
    h = h_in @ lW.T + lb
    h = h + nz * ns  # noise broadcast over rows
    s = style @ aW.T + ab
    gamma, beta = s[:, :C], s[:, C:]
    mu = jnp.mean(h, axis=0, keepdims=True)
    var = jnp.var(h, axis=0, keepdims=True)
    hn = (h - mu) / jnp.sqrt(var + EPS)  # InstanceNorm over nodes, per channel
    h = gamma * hn + beta
    return jnp.where(h >= 0, h, 0.01 * h)  # LeakyReLU


def reference(x, edge_index, style, W_edge, b_edge, Wc1, bc1, Wc2, bc2,
              l0W, l0b, a0W, a0b, ns0, nz0,
              l1W, l1b, a1W, a1b, ns1, nz1,
              l2W, l2b, a2W, a2b, ns2, nz2):
    src = edge_index[0]
    dst = edge_index[1]
    # SparseLinear: out[dst] += W_edge[src], plus bias
    out = jax.ops.segment_sum(jnp.take(W_edge, src, axis=0), dst, num_segments=N) + b_edge
    out = out + out @ Wc1.T + bc1
    xm = _style_layer(x, style, l0W, l0b, a0W, a0b, ns0, nz0)
    out = out + xm
    out = out + xm @ Wc2.T + bc2
    out = jax.nn.relu(out)
    out = _style_layer(out, style, l1W, l1b, a1W, a1b, ns1, nz1)
    out = _style_layer(out, style, l2W, l2b, a2W, a2b, ns2, nz2)
    return out

if __name__ == "__main__":
    import jax
    _d = setup_inputs()
    print(jax.jit(kernel)(*tuple(_d.values())))

</pallas_src>

<mosaic_0001>
#map = affine_map<(d0, d1) -> (0)>
#map1 = affine_map<(d0, d1) -> (0, 0)>
#map2 = affine_map<(d0, d1) -> (0, 0, 0)>
module attributes {stable_mosaic.version = 14 : i64} {
  func.func @_sc_segment_sum(%arg0: i32, %arg1: i32, %arg2: memref<320512xi32, #tpu.memory_space<hbm>>, %arg3: memref<320512xi32, #tpu.memory_space<hbm>>, %arg4: memref<10000x128xf32, #tpu.memory_space<hbm>>, %arg5: memref<2x10000x128xf32, #tpu.memory_space<hbm>>, %arg6: memref<128xi32, #tpu.memory_space<vmem>>, %arg7: memref<128xi32, #tpu.memory_space<vmem>>, %arg8: memref<128xi32, #tpu.memory_space<vmem>>, %arg9: memref<128xi32, #tpu.memory_space<vmem>>, %arg10: memref<128xi32, #tpu.memory_space<vmem>>, %arg11: memref<128xi32, #tpu.memory_space<vmem>>, %arg12: memref<128xi32, #tpu.memory_space<vmem>>, %arg13: memref<128xi32, #tpu.memory_space<vmem>>, %arg14: memref<128xi32, #tpu.memory_space<vmem>>, %arg15: memref<128xi32, #tpu.memory_space<vmem>>, %arg16: memref<128xi32, #tpu.memory_space<vmem>>, %arg17: memref<128xi32, #tpu.memory_space<vmem>>, %arg18: memref<128x128xf32, #tpu.memory_space<vmem>>, %arg19: memref<128x128xf32, #tpu.memory_space<vmem>>, %arg20: memref<128x128xf32, #tpu.memory_space<vmem>>, %arg21: memref<16xi32, #tpu.memory_space<vmem>>, %arg22: memref<16xi32, #tpu.memory_space<vmem>>, %arg23: memref<10000x128xf32, #tpu.memory_space<vmem_shared>>, %arg24: memref<!tpu.dma_semaphore, #tpu.memory_space<semaphore_mem>>, %arg25: memref<!tpu.dma_semaphore, #tpu.memory_space<semaphore_mem>>, %arg26: memref<!tpu.dma_semaphore, #tpu.memory_space<semaphore_mem>>, %arg27: memref<!tpu.dma_semaphore, #tpu.memory_space<semaphore_mem>>, %arg28: memref<!tpu.dma_semaphore, #tpu.memory_space<semaphore_mem>>, %arg29: memref<!tpu.dma_semaphore, #tpu.memory_space<semaphore_mem>>, %arg30: memref<!tpu.dma_semaphore, #tpu.memory_space<semaphore_mem>>, %arg31: memref<!tpu.dma_semaphore, #tpu.memory_space<semaphore_mem>>, %arg32: memref<!tpu.dma_semaphore, #tpu.memory_space<semaphore_mem>>, %arg33: memref<!tpu.dma_semaphore, #tpu.memory_space<semaphore_mem>>, %arg34: memref<!tpu.dma_semaphore, #tpu.memory_space<semaphore_mem>>, %arg35: memref<!tpu.dma_semaphore, #tpu.memory_space<semaphore_mem>>) attributes {dimension_semantics = [#tpu.dimension_semantics<core_parallel>, #tpu.dimension_semantics<subcore_parallel>], iteration_bounds = array<i64: 2, 16>, scalar_prefetch = 0 : i64, scratch_operands = 30 : i64, tpu.core_type = #tpu.core_type<sc_vector_subcore>, window_params = [{transform_indices = #map}, {transform_indices = #map}, {transform_indices = #map1}, {transform_indices = #map2}]} {
    %mul3A = arith.constant 16 : i32
    %mul3A_0 = arith.muli %arg0, %mul3A : i32
    %add3A = arith.addi %mul3A_0, %arg1 : i32
    %mul3A_1 = arith.constant 10000 : i32
    %mul3A_2 = arith.muli %add3A, %mul3A_1 : i32
    %add3A_3 = arith.constant 0 : i32
    %add3A_4 = arith.addi %mul3A_2, %add3A_3 : i32
    %dma_start3A = tpu.memref_slice %arg2[%add3A_4] : memref<320512xi32, #tpu.memory_space<hbm>> -> memref<128xi32, #tpu.memory_space<hbm>>
    %dma_start3A_5 = tpu.memref_slice %arg2[%add3A_4] : memref<320512xi32, #tpu.memory_space<hbm>> -> memref<128xi32, #tpu.memory_space<hbm>>
    tpu.enqueue_dma source(%dma_start3A_5 : memref<128xi32, #tpu.memory_space<hbm>>) target(%arg6 : memref<128xi32, #tpu.memory_space<vmem>>) target_semaphore(%arg30 : memref<!tpu.dma_semaphore, #tpu.memory_space<semaphore_mem>>)
    %dma_start3A_6 = tpu.memref_slice %arg3[%add3A_4] : memref<320512xi32, #tpu.memory_space<hbm>> -> memref<128xi32, #tpu.memory_space<hbm>>
    %dma_start3A_7 = tpu.memref_slice %arg3[%add3A_4] : memref<320512xi32, #tpu.memory_space<hbm>> -> memref<128xi32, #tpu.memory_space<hbm>>
    tpu.enqueue_dma source(%dma_start3A_7 : memref<128xi32, #tpu.memory_space<hbm>>) target(%arg12 : memref<128xi32, #tpu.memory_space<vmem>>) target_semaphore(%arg30 : memref<!tpu.dma_semaphore, #tpu.memory_space<semaphore_mem>>)
    %add3A_8 = arith.constant 128 : i32
    %add3A_9 = arith.addi %mul3A_2, %add3A_8 : i32
    %dma_start3A_10 = tpu.memref_slice %arg2[%add3A_9] : memref<320512xi32, #tpu.memory_space<hbm>> -> memref<128xi32, #tpu.memory_space<hbm>>
    %dma_start3A_11 = tpu.memref_slice %arg2[%add3A_9] : memref<320512xi32, #tpu.memory_space<hbm>> -> memref<128xi32, #tpu.memory_space<hbm>>
    tpu.enqueue_dma source(%dma_start3A_11 : memref<128xi32, #tpu.memory_space<hbm>>) target(%arg7 : memref<128xi32, #tpu.memory_space<vmem>>) target_semaphore(%arg31 : memref<!tpu.dma_semaphore, #tpu.memory_space<semaphore_mem>>)
    %dma_start3A_12 = tpu.memref_slice %arg3[%add3A_9] : memref<320512xi32, #tpu.memory_space<hbm>> -> memref<128xi32, #tpu.memory_space<hbm>>
    %dma_start3A_13 = tpu.memref_slice %arg3[%add3A_9] : memref<320512xi32, #tpu.memory_space<hbm>> -> memref<128xi32, #tpu.memory_space<hbm>>
    tpu.enqueue_dma source(%dma_start3A_13 : memref<128xi32, #tpu.memory_space<hbm>>) target(%arg13 : memref<128xi32, #tpu.memory_space<vmem>>) target_semaphore(%arg31 : memref<!tpu.dma_semaphore, #tpu.memory_space<semaphore_mem>>)
    %add3A_14 = arith.constant 256 : i32
    %add3A_15 = arith.addi %mul3A_2, %add3A_14 : i32
    %dma_start3A_16 = tpu.memref_slice %arg2[%add3A_15] : memref<320512xi32, #tpu.memory_space<hbm>> -> memref<128xi32, #tpu.memory_space<hbm>>
    %dma_start3A_17 = tpu.memref_slice %arg2[%add3A_15] : memref<320512xi32, #tpu.memory_space<hbm>> -> memref<128xi32, #tpu.memory_space<hbm>>
    tpu.enqueue_dma source(%dma_start3A_17 : memref<128xi32, #tpu.memory_space<hbm>>) target(%arg8 : memref<128xi32, #tpu.memory_space<vmem>>) target_semaphore(%arg32 : memref<!tpu.dma_semaphore, #tpu.memory_space<semaphore_mem>>)
    %dma_start3A_18 = tpu.memref_slice %arg3[%add3A_15] : memref<320512xi32, #tpu.memory_space<hbm>> -> memref<128xi32, #tpu.memory_space<hbm>>
    %dma_start3A_19 = tpu.memref_slice %arg3[%add3A_15] : memref<320512xi32, #tpu.memory_space<hbm>> -> memref<128xi32, #tpu.memory_space<hbm>>
    tpu.enqueue_dma source(%dma_start3A_19 : memref<128xi32, #tpu.memory_space<hbm>>) target(%arg14 : memref<128xi32, #tpu.memory_space<vmem>>) target_semaphore(%arg32 : memref<!tpu.dma_semaphore, #tpu.memory_space<semaphore_mem>>)
    %add3A_20 = arith.constant 384 : i32
    %add3A_21 = arith.addi %mul3A_2, %add3A_20 : i32
    %dma_start3A_22 = tpu.memref_slice %arg2[%add3A_21] : memref<320512xi32, #tpu.memory_space<hbm>> -> memref<128xi32, #tpu.memory_space<hbm>>
    %dma_start3A_23 = tpu.memref_slice %arg2[%add3A_21] : memref<320512xi32, #tpu.memory_space<hbm>> -> memref<128xi32, #tpu.memory_space<hbm>>
    tpu.enqueue_dma source(%dma_start3A_23 : memref<128xi32, #tpu.memory_space<hbm>>) target(%arg9 : memref<128xi32, #tpu.memory_space<vmem>>) target_semaphore(%arg33 : memref<!tpu.dma_semaphore, #tpu.memory_space<semaphore_mem>>)
    %dma_start3A_24 = tpu.memref_slice %arg3[%add3A_21] : memref<320512xi32, #tpu.memory_space<hbm>> -> memref<128xi32, #tpu.memory_space<hbm>>
    %dma_start3A_25 = tpu.memref_slice %arg3[%add3A_21] : memref<320512xi32, #tpu.memory_space<hbm>> -> memref<128xi32, #tpu.memory_space<hbm>>
    tpu.enqueue_dma source(%dma_start3A_25 : memref<128xi32, #tpu.memory_space<hbm>>) target(%arg15 : memref<128xi32, #tpu.memory_space<vmem>>) target_semaphore(%arg33 : memref<!tpu.dma_semaphore, #tpu.memory_space<semaphore_mem>>)
    %dma_wait3A = arith.constant 0 : i32
    %dma_wait3A_26 = tpu.memref_slice %arg2[%dma_wait3A] : memref<320512xi32, #tpu.memory_space<hbm>> -> memref<128xi32, #tpu.memory_space<hbm>>
    %dma_wait3A_27 = arith.constant 0 : i32
    %dma_wait3A_28 = tpu.memref_slice %arg2[%dma_wait3A_27] : memref<320512xi32, #tpu.memory_space<hbm>> -> memref<128xi32, #tpu.memory_space<hbm>>
    tpu.wait_dma2 semaphore(%arg30 : memref<!tpu.dma_semaphore, #tpu.memory_space<semaphore_mem>>) src(%dma_wait3A_28 : memref<128xi32, #tpu.memory_space<hbm>>) dst(%arg6 : memref<128xi32, #tpu.memory_space<vmem>>)
    %dma_wait3A_29 = arith.constant 0 : i32
    %dma_wait3A_30 = tpu.memref_slice %arg3[%dma_wait3A_29] : memref<320512xi32, #tpu.memory_space<hbm>> -> memref<128xi32, #tpu.memory_space<hbm>>
    %dma_wait3A_31 = arith.constant 0 : i32
    %dma_wait3A_32 = tpu.memref_slice %arg3[%dma_wait3A_31] : memref<320512xi32, #tpu.memory_space<hbm>> -> memref<128xi32, #tpu.memory_space<hbm>>
    tpu.wait_dma2 semaphore(%arg30 : memref<!tpu.dma_semaphore, #tpu.memory_space<semaphore_mem>>) src(%dma_wait3A_32 : memref<128xi32, #tpu.memory_space<hbm>>) dst(%arg12 : memref<128xi32, #tpu.memory_space<vmem>>)
    %dma_start3A_33 = arith.constant 0 : i32
    %dma_start3A_34 = arith.constant 0 : i32
    %dma_start3A_35 = tpu.memref_slice %arg4[%dma_start3A_33, %dma_start3A_34] : memref<10000x128xf32, #tpu.memory_space<hbm>> -> memref<10000x128xf32, #tpu.memory_space<hbm>>
    tpu.enqueue_indirect_dma source(%dma_start3A_35 : memref<10000x128xf32, #tpu.memory_space<hbm>>) target(%arg18 : memref<128x128xf32, #tpu.memory_space<vmem>>) offsets(%arg6 : memref<128xi32, #tpu.memory_space<vmem>>) semaphore(%arg24 : memref<!tpu.dma_semaphore, #tpu.memory_space<semaphore_mem>>)
    %dma_wait3A_36 = arith.constant 0 : i32
    %dma_wait3A_37 = tpu.memref_slice %arg2[%dma_wait3A_36] : memref<320512xi32, #tpu.memory_space<hbm>> -> memref<128xi32, #tpu.memory_space<hbm>>
    %dma_wait3A_38 = arith.constant 0 : i32
    %dma_wait3A_39 = tpu.memref_slice %arg2[%dma_wait3A_38] : memref<320512xi32, #tpu.memory_space<hbm>> -> memref<128xi32, #tpu.memory_space<hbm>>
    tpu.wait_dma2 semaphore(%arg31 : memref<!tpu.dma_semaphore, #tpu.memory_space<semaphore_mem>>) src(%dma_wait3A_39 : memref<128xi32, #tpu.memory_space<hbm>>) dst(%arg7 : memref<128xi32, #tpu.memory_space<vmem>>)
    %dma_wait3A_40 = arith.constant 0 : i32
    %dma_wait3A_41 = tpu.memref_slice %arg3[%dma_wait3A_40] : memref<320512xi32, #tpu.memory_space<hbm>> -> memref<128xi32, #tpu.memory_space<hbm>>
    %dma_wait3A_42 = arith.constant 0 : i32
    %dma_wait3A_43 = tpu.memref_slice %arg3[%dma_wait3A_42] : memref<320512xi32, #tpu.memory_space<hbm>> -> memref<128xi32, #tpu.memory_space<hbm>>
    tpu.wait_dma2 semaphore(%arg31 : memref<!tpu.dma_semaphore, #tpu.memory_space<semaphore_mem>>) src(%dma_wait3A_43 : memref<128xi32, #tpu.memory_space<hbm>>) dst(%arg13 : memref<128xi32, #tpu.memory_space<vmem>>)
    %dma_start3A_44 = arith.constant 0 : i32
    %dma_start3A_45 = arith.constant 0 : i32
    %dma_start3A_46 = tpu.memref_slice %arg4[%dma_start3A_44, %dma_start3A_45] : memref<10000x128xf32, #tpu.memory_space<hbm>> -> memref<10000x128xf32, #tpu.memory_space<hbm>>
    tpu.enqueue_indirect_dma source(%dma_start3A_46 : memref<10000x128xf32, #tpu.memory_space<hbm>>) target(%arg19 : memref<128x128xf32, #tpu.memory_space<vmem>>) offsets(%arg7 : memref<128xi32, #tpu.memory_space<vmem>>) semaphore(%arg25 : memref<!tpu.dma_semaphore, #tpu.memory_space<semaphore_mem>>)
    %broadcast_in_dim3A = arith.constant 0.000000e+00 : f32
    %broadcast_in_dim3A_47 = vector.broadcast %broadcast_in_dim3A : f32 to vector<16xf32>
    %scan3A = arith.constant 0 : i32
    %scan3A_48 = arith.constant 0 : i32
    %scan3A_49 = arith.constant 128 : i32
    %scan3A_50 = arith.addi %scan3A_48, %scan3A_49 : i32
    %scan3A_51 = arith.constant 1 : i32
    scf.for %scan3A_118 = %scan3A_48 to %scan3A_50 step %scan3A_51  : i32 {
      %swap3A = arith.index_cast %scan3A_118 : i32 to index
      %swap3A_119 = arith.constant 0 : index
      %swap3A_120 = tpu.vector_load %arg20[%swap3A, %swap3A_119] {strides = array<i32>} : memref<128x128xf32, #tpu.memory_space<vmem>>, vector<1x16xf32>,
      %swap3A_121 = vector.shape_cast %swap3A_120 : vector<1x16xf32> to vector<16xf32>
      %swap3A_122 = vector.shape_cast %broadcast_in_dim3A_47 : vector<16xf32> to vector<1x16xf32>
      tpu.vector_store %arg20[%swap3A, %swap3A_119], %swap3A_122 {strides = array<i32>} : memref<128x128xf32, #tpu.memory_space<vmem>>, vector<1x16xf32>,
      %swap3A_123 = arith.index_cast %scan3A_118 : i32 to index
      %swap3A_124 = arith.constant 16 : index
      %swap3A_125 = tpu.vector_load %arg20[%swap3A_123, %swap3A_124] {strides = array<i32>} : memref<128x128xf32, #tpu.memory_space<vmem>>, vector<1x16xf32>,
      %swap3A_126 = vector.shape_cast %swap3A_125 : vector<1x16xf32> to vector<16xf32>
      %swap3A_127 = vector.shape_cast %broadcast_in_dim3A_47 : vector<16xf32> to vector<1x16xf32>
      tpu.vector_store %arg20[%swap3A_123, %swap3A_124], %swap3A_127 {strides = array<i32>} : memref<128x128xf32, #tpu.memory_space<vmem>>, vector<1x16xf32>,
      %swap3A_128 = arith.index_cast %scan3A_118 : i32 to index
      %swap3A_129 = arith.constant 32 : index
      %swap3A_130 = tpu.vector_load %arg20[%swap3A_128, %swap3A_129] {strides = array<i32>} : memref<128x128xf32, #tpu.memory_space<vmem>>, vector<1x16xf32>,
      %swap3A_131 = vector.shape_cast %swap3A_130 : vector<1x16xf32> to vector<16xf32>
      %swap3A_132 = vector.shape_cast %broadcast_in_dim3A_47 : vector<16xf32> to vector<1x16xf32>
      tpu.vector_store %arg20[%swap3A_128, %swap3A_129], %swap3A_132 {strides = array<i32>} : memref<128x128xf32, #tpu.memory_space<vmem>>, vector<1x16xf32>,
      %swap3A_133 = arith.index_cast %scan3A_118 : i32 to index
      %swap3A_134 = arith.constant 48 : index
      %swap3A_135 = tpu.vector_load %arg20[%swap3A_133, %swap3A_134] {strides = array<i32>} : memref<128x128xf32, #tpu.memory_space<vmem>>, vector<1x16xf32>,
      %swap3A_136 = vector.shape_cast %swap3A_135 : vector<1x16xf32> to vector<16xf32>
      %swap3A_137 = vector.shape_cast %broadcast_in_dim3A_47 : vector<16xf32> to vector<1x16xf32>
      tpu.vector_store %arg20[%swap3A_133, %swap3A_134], %swap3A_137 {strides = array<i32>} : memref<128x128xf32, #tpu.memory_space<vmem>>, vector<1x16xf32>,
      %swap3A_138 = arith.index_cast %scan3A_118 : i32 to index
      %swap3A_139 = arith.constant 64 : index
      %swap3A_140 = tpu.vector_load %arg20[%swap3A_138, %swap3A_139] {strides = array<i32>} : memref<128x128xf32, #tpu.memory_space<vmem>>, vector<1x16xf32>,
      %swap3A_141 = vector.shape_cast %swap3A_140 : vector<1x16xf32> to vector<16xf32>
      %swap3A_142 = vector.shape_cast %broadcast_in_dim3A_47 : vector<16xf32> to vector<1x16xf32>
      tpu.vector_store %arg20[%swap3A_138, %swap3A_139], %swap3A_142 {strides = array<i32>} : memref<128x128xf32, #tpu.memory_space<vmem>>, vector<1x16xf32>,
      %swap3A_143 = arith.index_cast %scan3A_118 : i32 to index
      %swap3A_144 = arith.constant 80 : index
      %swap3A_145 = tpu.vector_load %arg20[%swap3A_143, %swap3A_144] {strides = array<i32>} : memref<128x128xf32, #tpu.memory_space<vmem>>, vector<1x16xf32>,
      %swap3A_146 = vector.shape_cast %swap3A_145 : vector<1x16xf32> to vector<16xf32>
      %swap3A_147 = vector.shape_cast %broadcast_in_dim3A_47 : vector<16xf32> to vector<1x16xf32>
      tpu.vector_store %arg20[%swap3A_143, %swap3A_144], %swap3A_147 {strides = array<i32>} : memref<128x128xf32, #tpu.memory_space<vmem>>, vector<1x16xf32>,
      %swap3A_148 = arith.index_cast %scan3A_118 : i32 to index
      %swap3A_149 = arith.constant 96 : index
      %swap3A_150 = tpu.vector_load %arg20[%swap3A_148, %swap3A_149] {strides = array<i32>} : memref<128x128xf32, #tpu.memory_space<vmem>>, vector<1x16xf32>,
      %swap3A_151 = vector.shape_cast %swap3A_150 : vector<1x16xf32> to vector<16xf32>
      %swap3A_152 = vector.shape_cast %broadcast_in_dim3A_47 : vector<16xf32> to vector<1x16xf32>
      tpu.vector_store %arg20[%swap3A_148, %swap3A_149], %swap3A_152 {strides = array<i32>} : memref<128x128xf32, #tpu.memory_space<vmem>>, vector<1x16xf32>,
      %swap3A_153 = arith.index_cast %scan3A_118 : i32 to index
      %swap3A_154 = arith.constant 112 : index
      %swap3A_155 = tpu.vector_load %arg20[%swap3A_153, %swap3A_154] {strides = array<i32>} : memref<128x128xf32, #tpu.memory_space<vmem>>, vector<1x16xf32>,
      %swap3A_156 = vector.shape_cast %swap3A_155 : vector<1x16xf32> to vector<16xf32>
      %swap3A_157 = vector.shape_cast %broadcast_in_dim3A_47 : vector<16xf32> to vector<1x16xf32>
      tpu.vector_store %arg20[%swap3A_153, %swap3A_154], %swap3A_157 {strides = array<i32>} : memref<128x128xf32, #tpu.memory_space<vmem>>, vector<1x16xf32>,
    }
    %scan3A_52 = arith.constant 128 : i32
    %mul3A_53 = arith.constant 624 : i32
    %mul3A_54 = arith.muli %arg1, %mul3A_53 : i32
    %add3A_55 = arith.constant 0 : i32
    %add3A_56 = arith.addi %mul3A_54, %add3A_55 : i32
    "tpu.region"() ({
      %run_scoped3A = tpu.sem_alloc : memref<!tpu.dma_semaphore, #tpu.memory_space<semaphore_mem>>
      %dma_start3A_118 = arith.constant 0 : i32
      %dma_start3A_119 = tpu.memref_slice %arg23[%add3A_56, %dma_start3A_118] : memref<10000x128xf32, #tpu.memory_space<vmem_shared>> -> memref<128x128xf32, #tpu.memory_space<vmem_shared>>
      %dma_start3A_120 = arith.constant 0 : i32
      %dma_start3A_121 = tpu.memref_slice %arg23[%add3A_56, %dma_start3A_120] : memref<10000x128xf32, #tpu.memory_space<vmem_shared>> -> memref<128x128xf32, #tpu.memory_space<vmem_shared>>
      tpu.enqueue_dma source(%arg20 : memref<128x128xf32, #tpu.memory_space<vmem>>) target(%dma_start3A_121 : memref<128x128xf32, #tpu.memory_space<vmem_shared>>) target_semaphore(%run_scoped3A : memref<!tpu.dma_semaphore, #tpu.memory_space<semaphore_mem>>)
      %dma_wait3A_122 = arith.constant 0 : i32
      %dma_wait3A_123 = tpu.memref_slice %arg23[%add3A_56, %dma_wait3A_122] : memref<10000x128xf32, #tpu.memory_space<vmem_shared>> -> memref<128x128xf32, #tpu.memory_space<vmem_shared>>
      %dma_wait3A_124 = arith.constant 0 : i32
      %dma_wait3A_125 = tpu.memref_slice %arg23[%add3A_56, %dma_wait3A_124] : memref<10000x128xf32, #tpu.memory_space<vmem_shared>> -> memref<128x128xf32, #tpu.memory_space<vmem_shared>>
      tpu.wait_dma2 semaphore(%run_scoped3A : memref<!tpu.dma_semaphore, #tpu.memory_space<semaphore_mem>>) src(%arg20 : memref<128x128xf32, #tpu.memory_space<vmem>>) dst(%dma_wait3A_125 : memref<128x128xf32, #tpu.memory_space<vmem_shared>>)
      tpu.yield
    }) : () -> ()
    %add3A_57 = arith.constant 128 : i32
    %add3A_58 = arith.addi %mul3A_54, %add3A_57 : i32
    "tpu.region"() ({
      %run_scoped3A = tpu.sem_alloc : memref<!tpu.dma_semaphore, #tpu.memory_space<semaphore_mem>>
      %dma_start3A_118 = arith.constant 0 : i32
      %dma_start3A_119 = tpu.memref_slice %arg23[%add3A_58, %dma_start3A_118] : memref<10000x128xf32, #tpu.memory_space<vmem_shared>> -> memref<128x128xf32, #tpu.memory_space<vmem_shared>>
      %dma_start3A_120 = arith.constant 0 : i32
      %dma_start3A_121 = tpu.memref_slice %arg23[%add3A_58, %dma_start3A_120] : memref<10000x128xf32, #tpu.memory_space<vmem_shared>> -> memref<128x128xf32, #tpu.memory_space<vmem_shared>>
      tpu.enqueue_dma source(%arg20 : memref<128x128xf32, #tpu.memory_space<vmem>>) target(%dma_start3A_121 : memref<128x128xf32, #tpu.memory_space<vmem_shared>>) target_semaphore(%run_scoped3A : memref<!tpu.dma_semaphore, #tpu.memory_space<semaphore_mem>>)
      %dma_wait3A_122 = arith.constant 0 : i32
      %dma_wait3A_123 = tpu.memref_slice %arg23[%add3A_58, %dma_wait3A_122] : memref<10000x128xf32, #tpu.memory_space<vmem_shared>> -> memref<128x128xf32, #tpu.memory_space<vmem_shared>>
      %dma_wait3A_124 = arith.constant 0 : i32
      %dma_wait3A_125 = tpu.memref_slice %arg23[%add3A_58, %dma_wait3A_124] : memref<10000x128xf32, #tpu.memory_space<vmem_shared>> -> memref<128x128xf32, #tpu.memory_space<vmem_shared>>
      tpu.wait_dma2 semaphore(%run_scoped3A : memref<!tpu.dma_semaphore, #tpu.memory_space<semaphore_mem>>) src(%arg20 : memref<128x128xf32, #tpu.memory_space<vmem>>) dst(%dma_wait3A_125 : memref<128x128xf32, #tpu.memory_space<vmem_shared>>)
      tpu.yield
    }) : () -> ()
    %add3A_59 = arith.constant 256 : i32
    %add3A_60 = arith.addi %mul3A_54, %add3A_59 : i32
    "tpu.region"() ({
      %run_scoped3A = tpu.sem_alloc : memref<!tpu.dma_semaphore, #tpu.memory_space<semaphore_mem>>
      %dma_start3A_118 = arith.constant 0 : i32
      %dma_start3A_119 = tpu.memref_slice %arg23[%add3A_60, %dma_start3A_118] : memref<10000x128xf32, #tpu.memory_space<vmem_shared>> -> memref<128x128xf32, #tpu.memory_space<vmem_shared>>
      %dma_start3A_120 = arith.constant 0 : i32
      %dma_start3A_121 = tpu.memref_slice %arg23[%add3A_60, %dma_start3A_120] : memref<10000x128xf32, #tpu.memory_space<vmem_shared>> -> memref<128x128xf32, #tpu.memory_space<vmem_shared>>
      tpu.enqueue_dma source(%arg20 : memref<128x128xf32, #tpu.memory_space<vmem>>) target(%dma_start3A_121 : memref<128x128xf32, #tpu.memory_space<vmem_shared>>) target_semaphore(%run_scoped3A : memref<!tpu.dma_semaphore, #tpu.memory_space<semaphore_mem>>)
      %dma_wait3A_122 = arith.constant 0 : i32
      %dma_wait3A_123 = tpu.memref_slice %arg23[%add3A_60, %dma_wait3A_122] : memref<10000x128xf32, #tpu.memory_space<vmem_shared>> -> memref<128x128xf32, #tpu.memory_space<vmem_shared>>
      %dma_wait3A_124 = arith.constant 0 : i32
      %dma_wait3A_125 = tpu.memref_slice %arg23[%add3A_60, %dma_wait3A_124] : memref<10000x128xf32, #tpu.memory_space<vmem_shared>> -> memref<128x128xf32, #tpu.memory_space<vmem_shared>>
      tpu.wait_dma2 semaphore(%run_scoped3A : memref<!tpu.dma_semaphore, #tpu.memory_space<semaphore_mem>>) src(%arg20 : memref<128x128xf32, #tpu.memory_space<vmem>>) dst(%dma_wait3A_125 : memref<128x128xf32, #tpu.memory_space<vmem_shared>>)
      tpu.yield
    }) : () -> ()
    %add3A_61 = arith.constant 384 : i32
    %add3A_62 = arith.addi %mul3A_54, %add3A_61 : i32
    "tpu.region"() ({
      %run_scoped3A = tpu.sem_alloc : memref<!tpu.dma_semaphore, #tpu.memory_space<semaphore_mem>>
      %dma_start3A_118 = arith.constant 0 : i32
      %dma_start3A_119 = tpu.memref_slice %arg23[%add3A_62, %dma_start3A_118] : memref<10000x128xf32, #tpu.memory_space<vmem_shared>> -> memref<128x128xf32, #tpu.memory_space<vmem_shared>>
      %dma_start3A_120 = arith.constant 0 : i32
      %dma_start3A_121 = tpu.memref_slice %arg23[%add3A_62, %dma_start3A_120] : memref<10000x128xf32, #tpu.memory_space<vmem_shared>> -> memref<128x128xf32, #tpu.memory_space<vmem_shared>>
      tpu.enqueue_dma source(%arg20 : memref<128x128xf32, #tpu.memory_space<vmem>>) target(%dma_start3A_121 : memref<128x128xf32, #tpu.memory_space<vmem_shared>>) target_semaphore(%run_scoped3A : memref<!tpu.dma_semaphore, #tpu.memory_space<semaphore_mem>>)
      %dma_wait3A_122 = arith.constant 0 : i32
      %dma_wait3A_123 = tpu.memref_slice %arg23[%add3A_62, %dma_wait3A_122] : memref<10000x128xf32, #tpu.memory_space<vmem_shared>> -> memref<128x128xf32, #tpu.memory_space<vmem_shared>>
      %dma_wait3A_124 = arith.constant 0 : i32
      %dma_wait3A_125 = tpu.memref_slice %arg23[%add3A_62, %dma_wait3A_124] : memref<10000x128xf32, #tpu.memory_space<vmem_shared>> -> memref<128x128xf32, #tpu.memory_space<vmem_shared>>
      tpu.wait_dma2 semaphore(%run_scoped3A : memref<!tpu.dma_semaphore, #tpu.memory_space<semaphore_mem>>) src(%arg20 : memref<128x128xf32, #tpu.memory_space<vmem>>) dst(%dma_wait3A_125 : memref<128x128xf32, #tpu.memory_space<vmem_shared>>)
      tpu.yield
    }) : () -> ()
    %add3A_63 = arith.constant 512 : i32
    %add3A_64 = arith.addi %mul3A_54, %add3A_63 : i32
    "tpu.region"() ({
      %run_scoped3A = tpu.sem_alloc : memref<!tpu.dma_semaphore, #tpu.memory_space<semaphore_mem>>
      %dma_start3A_118 = arith.constant 0 : i32
      %dma_start3A_119 = arith.constant 0 : i32
      %dma_start3A_120 = tpu.memref_slice %arg20[%dma_start3A_118, %dma_start3A_119] : memref<128x128xf32, #tpu.memory_space<vmem>> -> memref<112x128xf32, #tpu.memory_space<vmem>>
      %dma_start3A_121 = arith.constant 0 : i32
      %dma_start3A_122 = tpu.memref_slice %arg23[%add3A_64, %dma_start3A_121] : memref<10000x128xf32, #tpu.memory_space<vmem_shared>> -> memref<112x128xf32, #tpu.memory_space<vmem_shared>>
      %dma_start3A_123 = arith.constant 0 : i32
      %dma_start3A_124 = tpu.memref_slice %arg23[%add3A_64, %dma_start3A_123] : memref<10000x128xf32, #tpu.memory_space<vmem_shared>> -> memref<112x128xf32, #tpu.memory_space<vmem_shared>>
      %dma_start3A_125 = arith.constant 0 : i32
      %dma_start3A_126 = arith.constant 0 : i32
      %dma_start3A_127 = tpu.memref_slice %arg20[%dma_start3A_125, %dma_start3A_126] : memref<128x128xf32, #tpu.memory_space<vmem>> -> memref<112x128xf32, #tpu.memory_space<vmem>>
      tpu.enqueue_dma source(%dma_start3A_127 : memref<112x128xf32, #tpu.memory_space<vmem>>) target(%dma_start3A_124 : memref<112x128xf32, #tpu.memory_space<vmem_shared>>) target_semaphore(%run_scoped3A : memref<!tpu.dma_semaphore, #tpu.memory_space<semaphore_mem>>)
      %dma_wait3A_128 = arith.constant 0 : i32
      %dma_wait3A_129 = arith.constant 0 : i32
      %dma_wait3A_130 = tpu.memref_slice %arg20[%dma_wait3A_128, %dma_wait3A_129] : memref<128x128xf32, #tpu.memory_space<vmem>> -> memref<112x128xf32, #tpu.memory_space<vmem>>
      %dma_wait3A_131 = arith.constant 0 : i32
      %dma_wait3A_132 = tpu.memref_slice %arg23[%add3A_64, %dma_wait3A_131] : memref<10000x128xf32, #tpu.memory_space<vmem_shared>> -> memref<112x128xf32, #tpu.memory_space<vmem_shared>>
      %dma_wait3A_133 = arith.constant 0 : i32
      %dma_wait3A_134 = tpu.memref_slice %arg23[%add3A_64, %dma_wait3A_133] : memref<10000x128xf32, #tpu.memory_space<vmem_shared>> -> memref<112x128xf32, #tpu.memory_space<vmem_shared>>
      %dma_wait3A_135 = arith.constant 0 : i32
      %dma_wait3A_136 = arith.constant 0 : i32
      %dma_wait3A_137 = tpu.memref_slice %arg20[%dma_wait3A_135, %dma_wait3A_136] : memref<128x128xf32, #tpu.memory_space<vmem>> -> memref<112x128xf32, #tpu.memory_space<vmem>>
      tpu.wait_dma2 semaphore(%run_scoped3A : memref<!tpu.dma_semaphore, #tpu.memory_space<semaphore_mem>>) src(%dma_wait3A_137 : memref<112x128xf32, #tpu.memory_space<vmem>>) dst(%dma_wait3A_134 : memref<112x128xf32, #tpu.memory_space<vmem_shared>>)
      tpu.yield
    }) : () -> ()
    %eq3A = arith.constant 15 : i32
    %eq3A_65 = arith.cmpi eq, %arg1, %eq3A : i32
    %convert_element_type3A = arith.extui %eq3A_65 : i1 to i32
    %cond3A = arith.constant 0 : i32
    %cond3A_66 = arith.cmpi ne, %convert_element_type3A, %cond3A : i32
    scf.if %cond3A_66 {
      "tpu.region"() ({
        %run_scoped3A = tpu.sem_alloc : memref<!tpu.dma_semaphore, #tpu.memory_space<semaphore_mem>>
        %dma_start3A_118 = arith.constant 0 : i32
        %dma_start3A_119 = arith.constant 0 : i32
        %dma_start3A_120 = tpu.memref_slice %arg20[%dma_start3A_118, %dma_start3A_119] : memref<128x128xf32, #tpu.memory_space<vmem>> -> memref<16x128xf32, #tpu.memory_space<vmem>>
        %dma_start3A_121 = arith.constant 9984 : i32
        %dma_start3A_122 = arith.constant 0 : i32
        %dma_start3A_123 = tpu.memref_slice %arg23[%dma_start3A_121, %dma_start3A_122] : memref<10000x128xf32, #tpu.memory_space<vmem_shared>> -> memref<16x128xf32, #tpu.memory_space<vmem_shared>>
        %dma_start3A_124 = arith.constant 9984 : i32
        %dma_start3A_125 = arith.constant 0 : i32
        %dma_start3A_126 = tpu.memref_slice %arg23[%dma_start3A_124, %dma_start3A_125] : memref<10000x128xf32, #tpu.memory_space<vmem_shared>> -> memref<16x128xf32, #tpu.memory_space<vmem_shared>>
        %dma_start3A_127 = arith.constant 0 : i32
        %dma_start3A_128 = arith.constant 0 : i32
        %dma_start3A_129 = tpu.memref_slice %arg20[%dma_start3A_127, %dma_start3A_128] : memref<128x128xf32, #tpu.memory_space<vmem>> -> memref<16x128xf32, #tpu.memory_space<vmem>>
        tpu.enqueue_dma source(%dma_start3A_129 : memref<16x128xf32, #tpu.memory_space<vmem>>) target(%dma_start3A_126 : memref<16x128xf32, #tpu.memory_space<vmem_shared>>) target_semaphore(%run_scoped3A : memref<!tpu.dma_semaphore, #tpu.memory_space<semaphore_mem>>)
        %dma_wait3A_130 = arith.constant 0 : i32
        %dma_wait3A_131 = arith.constant 0 : i32
        %dma_wait3A_132 = tpu.memref_slice %arg20[%dma_wait3A_130, %dma_wait3A_131] : memref<128x128xf32, #tpu.memory_space<vmem>> -> memref<16x128xf32, #tpu.memory_space<vmem>>
        %dma_wait3A_133 = arith.constant 9984 : i32
        %dma_wait3A_134 = arith.constant 0 : i32
        %dma_wait3A_135 = tpu.memref_slice %arg23[%dma_wait3A_133, %dma_wait3A_134] : memref<10000x128xf32, #tpu.memory_space<vmem_shared>> -> memref<16x128xf32, #tpu.memory_space<vmem_shared>>
        %dma_wait3A_136 = arith.constant 9984 : i32
        %dma_wait3A_137 = arith.constant 0 : i32
        %dma_wait3A_138 = tpu.memref_slice %arg23[%dma_wait3A_136, %dma_wait3A_137] : memref<10000x128xf32, #tpu.memory_space<vmem_shared>> -> memref<16x128xf32, #tpu.memory_space<vmem_shared>>
        %dma_wait3A_139 = arith.constant 0 : i32
        %dma_wait3A_140 = arith.constant 0 : i32
        %dma_wait3A_141 = tpu.memref_slice %arg20[%dma_wait3A_139, %dma_wait3A_140] : memref<128x128xf32, #tpu.memory_space<vmem>> -> memref<16x128xf32, #tpu.memory_space<vmem>>
        tpu.wait_dma2 semaphore(%run_scoped3A : memref<!tpu.dma_semaphore, #tpu.memory_space<semaphore_mem>>) src(%dma_wait3A_141 : memref<16x128xf32, #tpu.memory_space<vmem>>) dst(%dma_wait3A_138 : memref<16x128xf32, #tpu.memory_space<vmem_shared>>)
        tpu.yield
      }) : () -> ()
    } else {
    }
    %barrier3A = arith.constant 0 : index
    tpu.barrier barrier_id(%barrier3A)
    %scan3A_67 = arith.constant 0 : i32
    %scan3A_68 = arith.constant 0 : i32
    %scan3A_69 = arith.constant 13 : i32
    %scan3A_70 = arith.addi %scan3A_68, %scan3A_69 : i32
    %scan3A_71 = arith.constant 1 : i32
    scf.for %scan3A_118 = %scan3A_68 to %scan3A_70 step %scan3A_71  : i32 {
      %mul3A_119 = arith.constant 6 : i32
      %mul3A_120 = arith.muli %mul3A_119, %scan3A_118 : i32
      %add3A_121 = arith.constant 0 : i32
      %add3A_122 = arith.addi %mul3A_120, %add3A_121 : i32
      %dma_wait3A_123 = arith.constant 0 : i32
      %dma_wait3A_124 = arith.constant 0 : i32
      %dma_wait3A_125 = tpu.memref_slice %arg4[%dma_wait3A_123, %dma_wait3A_124] : memref<10000x128xf32, #tpu.memory_space<hbm>> -> memref<10000x128xf32, #tpu.memory_space<hbm>>
      tpu.wait_indirect_dma semaphore(%arg24 : memref<!tpu.dma_semaphore, #tpu.memory_space<semaphore_mem>>) src(%dma_wait3A_125 : memref<10000x128xf32, #tpu.memory_space<hbm>>) dst(%arg18 : memref<128x128xf32, #tpu.memory_space<vmem>>)
      %dma_start3A_126 = arith.constant 0 : i32
      %dma_start3A_127 = arith.constant 0 : i32
      %dma_start3A_128 = tpu.memref_slice %arg23[%dma_start3A_126, %dma_start3A_127] : memref<10000x128xf32, #tpu.memory_space<vmem_shared>> -> memref<10000x128xf32, #tpu.memory_space<vmem_shared>>
      tpu.enqueue_indirect_dma source(%arg18 : memref<128x128xf32, #tpu.memory_space<vmem>>) target(%dma_start3A_128 : memref<10000x128xf32, #tpu.memory_space<vmem_shared>>) offsets(%arg12 : memref<128xi32, #tpu.memory_space<vmem>>) semaphore(%arg27 : memref<!tpu.dma_semaphore, #tpu.memory_space<semaphore_mem>>) {add = true}
      %gt3A = arith.constant 0 : i32
      %gt3A_129 = arith.cmpi sgt, %scan3A_118, %gt3A : i32
      %convert_element_type3A_130 = arith.extui %gt3A_129 : i1 to i32
      %cond3A_131 = arith.constant 0 : i32
      %cond3A_132 = arith.cmpi ne, %convert_element_type3A_130, %cond3A_131 : i32
      scf.if %cond3A_132 {
        %dma_wait3A_318 = arith.constant 0 : i32
        %dma_wait3A_319 = arith.constant 0 : i32
        %dma_wait3A_320 = tpu.memref_slice %arg23[%dma_wait3A_318, %dma_wait3A_319] : memref<10000x128xf32, #tpu.memory_space<vmem_shared>> -> memref<10000x128xf32, #tpu.memory_space<vmem_shared>>
        tpu.wait_indirect_dma semaphore(%arg29 : memref<!tpu.dma_semaphore, #tpu.memory_space<semaphore_mem>>) src(%arg20 : memref<128x128xf32, #tpu.memory_space<vmem>>) dst(%dma_wait3A_320 : memref<10000x128xf32, #tpu.memory_space<vmem_shared>>)
      } else {
      }
      %dma_wait3A_133 = arith.constant 0 : i32
      %dma_wait3A_134 = tpu.memref_slice %arg2[%dma_wait3A_133] : memref<320512xi32, #tpu.memory_space<hbm>> -> memref<128xi32, #tpu.memory_space<hbm>>
      %dma_wait3A_135 = arith.constant 0 : i32
      %dma_wait3A_136 = tpu.memref_slice %arg2[%dma_wait3A_135] : memref<320512xi32, #tpu.memory_space<hbm>> -> memref<128xi32, #tpu.memory_space<hbm>>
      tpu.wait_dma2 semaphore(%arg32 : memref<!tpu.dma_semaphore, #tpu.memory_space<semaphore_mem>>) src(%dma_wait3A_136 : memref<128xi32, #tpu.memory_space<hbm>>) dst(%arg8 : memref<128xi32, #tpu.memory_space<vmem>>)
      %dma_wait3A_137 = arith.constant 0 : i32
      %dma_wait3A_138 = tpu.memref_slice %arg3[%dma_wait3A_137] : memref<320512xi32, #tpu.memory_space<hbm>> -> memref<128xi32, #tpu.memory_space<hbm>>
      %dma_wait3A_139 = arith.constant 0 : i32
      %dma_wait3A_140 = tpu.memref_slice %arg3[%dma_wait3A_139] : memref<320512xi32, #tpu.memory_space<hbm>> -> memref<128xi32, #tpu.memory_space<hbm>>
      tpu.wait_dma2 semaphore(%arg32 : memref<!tpu.dma_semaphore, #tpu.memory_space<semaphore_mem>>) src(%dma_wait3A_140 : memref<128xi32, #tpu.memory_space<hbm>>) dst(%arg14 : memref<128xi32, #tpu.memory_space<vmem>>)
      %dma_start3A_141 = arith.constant 0 : i32
      %dma_start3A_142 = arith.constant 0 : i32
      %dma_start3A_143 = tpu.memref_slice %arg4[%dma_start3A_141, %dma_start3A_142] : memref<10000x128xf32, #tpu.memory_space<hbm>> -> memref<10000x128xf32, #tpu.memory_space<hbm>>
      tpu.enqueue_indirect_dma source(%dma_start3A_143 : memref<10000x128xf32, #tpu.memory_space<hbm>>) target(%arg20 : memref<128x128xf32, #tpu.memory_space<vmem>>) offsets(%arg8 : memref<128xi32, #tpu.memory_space<vmem>>) semaphore(%arg26 : memref<!tpu.dma_semaphore, #tpu.memory_space<semaphore_mem>>)
      %add3A_144 = arith.constant 4 : i32
      %add3A_145 = arith.addi %add3A_122, %add3A_144 : i32
      %mul3A_146 = arith.constant 128 : i32
      %mul3A_147 = arith.muli %add3A_145, %mul3A_146 : i32
      %add3A_148 = arith.addi %mul3A_2, %mul3A_147 : i32
      %dma_start3A_149 = tpu.memref_slice %arg2[%add3A_148] : memref<320512xi32, #tpu.memory_space<hbm>> -> memref<128xi32, #tpu.memory_space<hbm>>
      %dma_start3A_150 = tpu.memref_slice %arg2[%add3A_148] : memref<320512xi32, #tpu.memory_space<hbm>> -> memref<128xi32, #tpu.memory_space<hbm>>
      tpu.enqueue_dma source(%dma_start3A_150 : memref<128xi32, #tpu.memory_space<hbm>>) target(%arg10 : memref<128xi32, #tpu.memory_space<vmem>>) target_semaphore(%arg34 : memref<!tpu.dma_semaphore, #tpu.memory_space<semaphore_mem>>)
      %dma_start3A_151 = tpu.memref_slice %arg3[%add3A_148] : memref<320512xi32, #tpu.memory_space<hbm>> -> memref<128xi32, #tpu.memory_space<hbm>>
      %dma_start3A_152 = tpu.memref_slice %arg3[%add3A_148] : memref<320512xi32, #tpu.memory_space<hbm>> -> memref<128xi32, #tpu.memory_space<hbm>>
      tpu.enqueue_dma source(%dma_start3A_152 : memref<128xi32, #tpu.memory_space<hbm>>) target(%arg16 : memref<128xi32, #tpu.memory_space<vmem>>) target_semaphore(%arg34 : memref<!tpu.dma_semaphore, #tpu.memory_space<semaphore_mem>>)
      %mul3A_153 = arith.constant 6 : i32
      %mul3A_154 = arith.muli %mul3A_153, %scan3A_118 : i32
      %add3A_155 = arith.constant 1 : i32
      %add3A_156 = arith.addi %mul3A_154, %add3A_155 : i32
      %dma_wait3A_157 = arith.constant 0 : i32
      %dma_wait3A_158 = arith.constant 0 : i32
      %dma_wait3A_159 = tpu.memref_slice %arg4[%dma_wait3A_157, %dma_wait3A_158] : memref<10000x128xf32, #tpu.memory_space<hbm>> -> memref<10000x128xf32, #tpu.memory_space<hbm>>
      tpu.wait_indirect_dma semaphore(%arg25 : memref<!tpu.dma_semaphore, #tpu.memory_space<semaphore_mem>>) src(%dma_wait3A_159 : memref<10000x128xf32, #tpu.memory_space<hbm>>) dst(%arg19 : memref<128x128xf32, #tpu.memory_space<vmem>>)
      %dma_start3A_160 = arith.constant 0 : i32
      %dma_start3A_161 = arith.constant 0 : i32
      %dma_start3A_162 = tpu.memref_slice %arg23[%dma_start3A_160, %dma_start3A_161] : memref<10000x128xf32, #tpu.memory_space<vmem_shared>> -> memref<10000x128xf32, #tpu.memory_space<vmem_shared>>
      tpu.enqueue_indirect_dma source(%arg19 : memref<128x128xf32, #tpu.memory_space<vmem>>) target(%dma_start3A_162 : memref<10000x128xf32, #tpu.memory_space<vmem_shared>>) offsets(%arg13 : memref<128xi32, #tpu.memory_space<vmem>>) semaphore(%arg28 : memref<!tpu.dma_semaphore, #tpu.memory_space<semaphore_mem>>) {add = true}
      %dma_wait3A_163 = arith.constant 0 : i32
      %dma_wait3A_164 = arith.constant 0 : i32
      %dma_wait3A_165 = tpu.memref_slice %arg23[%dma_wait3A_163, %dma_wait3A_164] : memref<10000x128xf32, #tpu.memory_space<vmem_shared>> -> memref<10000x128xf32, #tpu.memory_space<vmem_shared>>
      tpu.wait_indirect_dma semaphore(%arg27 : memref<!tpu.dma_semaphore, #tpu.memory_space<semaphore_mem>>) src(%arg18 : memref<128x128xf32, #tpu.memory_space<vmem>>) dst(%dma_wait3A_165 : memref<10000x128xf32, #tpu.memory_space<vmem_shared>>)
      %dma_wait3A_166 = arith.constant 0 : i32
      %dma_wait3A_167 = tpu.memref_slice %arg2[%dma_wait3A_166] : memref<320512xi32, #tpu.memory_space<hbm>> -> memref<128xi32, #tpu.memory_space<hbm>>
      %dma_wait3A_168 = arith.constant 0 : i32
      %dma_wait3A_169 = tpu.memref_slice %arg2[%dma_wait3A_168] : memref<320512xi32, #tpu.memory_space<hbm>> -> memref<128xi32, #tpu.memory_space<hbm>>
      tpu.wait_dma2 semaphore(%arg33 : memref<!tpu.dma_semaphore, #tpu.memory_space<semaphore_mem>>) src(%dma_wait3A_169 : memref<128xi32, #tpu.memory_space<hbm>>) dst(%arg9 : memref<128xi32, #tpu.memory_space<vmem>>)
      %dma_wait3A_170 = arith.constant 0 : i32
      %dma_wait3A_171 = tpu.memref_slice %arg3[%dma_wait3A_170] : memref<320512xi32, #tpu.memory_space<hbm>> -> memref<128xi32, #tpu.memory_space<hbm>>
      %dma_wait3A_172 = arith.constant 0 : i32
      %dma_wait3A_173 = tpu.memref_slice %arg3[%dma_wait3A_172] : memref<320512xi32, #tpu.memory_space<hbm>> -> memref<128xi32, #tpu.memory_space<hbm>>
      tpu.wait_dma2 semaphore(%arg33 : memref<!tpu.dma_semaphore, #tpu.memory_space<semaphore_mem>>) src(%dma_wait3A_173 : memref<128xi32, #tpu.memory_space<hbm>>) dst(%arg15 : memref<128xi32, #tpu.memory_space<vmem>>)
      %dma_start3A_174 = arith.constant 0 : i32
      %dma_start3A_175 = arith.constant 0 : i32
      %dma_start3A_176 = tpu.memref_slice %arg4[%dma_start3A_174, %dma_start3A_175] : memref<10000x128xf32, #tpu.memory_space<hbm>> -> memref<10000x128xf32, #tpu.memory_space<hbm>>
      tpu.enqueue_indirect_dma source(%dma_start3A_176 : memref<10000x128xf32, #tpu.memory_space<hbm>>) target(%arg18 : memref<128x128xf32, #tpu.memory_space<vmem>>) offsets(%arg9 : memref<128xi32, #tpu.memory_space<vmem>>) semaphore(%arg24 : memref<!tpu.dma_semaphore, #tpu.memory_space<semaphore_mem>>)
      %add3A_177 = arith.constant 4 : i32
      %add3A_178 = arith.addi %add3A_156, %add3A_177 : i32
      %mul3A_179 = arith.constant 128 : i32
      %mul3A_180 = arith.muli %add3A_178, %mul3A_179 : i32
      %add3A_181 = arith.addi %mul3A_2, %mul3A_180 : i32
      %dma_start3A_182 = tpu.memref_slice %arg2[%add3A_181] : memref<320512xi32, #tpu.memory_space<hbm>> -> memref<128xi32, #tpu.memory_space<hbm>>
      %dma_start3A_183 = tpu.memref_slice %arg2[%add3A_181] : memref<320512xi32, #tpu.memory_space<hbm>> -> memref<128xi32, #tpu.memory_space<hbm>>
      tpu.enqueue_dma source(%dma_start3A_183 : memref<128xi32, #tpu.memory_space<hbm>>) target(%arg11 : memref<128xi32, #tpu.memory_space<vmem>>) target_semaphore(%arg35 : memref<!tpu.dma_semaphore, #tpu.memory_space<semaphore_mem>>)
      %dma_start3A_184 = tpu.memref_slice %arg3[%add3A_181] : memref<320512xi32, #tpu.memory_space<hbm>> -> memref<128xi32, #tpu.memory_space<hbm>>
      %dma_start3A_185 = tpu.memref_slice %arg3[%add3A_181] : memref<320512xi32, #tpu.memory_space<hbm>> -> memref<128xi32, #tpu.memory_space<hbm>>
      tpu.enqueue_dma source(%dma_start3A_185 : memref<128xi32, #tpu.memory_space<hbm>>) target(%arg17 : memref<128xi32, #tpu.memory_space<vmem>>) target_semaphore(%arg35 : memref<!tpu.dma_semaphore, #tpu.memory_space<semaphore_mem>>)
      %mul3A_186 = arith.constant 6 : i32
      %mul3A_187 = arith.muli %mul3A_186, %scan3A_118 : i32
      %add3A_188 = arith.constant 2 : i32
      %add3A_189 = arith.addi %mul3A_187, %add3A_188 : i32
      %dma_wait3A_190 = arith.constant 0 : i32
      %dma_wait3A_191 = arith.constant 0 : i32
      %dma_wait3A_192 = tpu.memref_slice %arg4[%dma_wait3A_190, %dma_wait3A_191] : memref<10000x128xf32, #tpu.memory_space<hbm>> -> memref<10000x128xf32, #tpu.memory_space<hbm>>
      tpu.wait_indirect_dma semaphore(%arg26 : memref<!tpu.dma_semaphore, #tpu.memory_space<semaphore_mem>>) src(%dma_wait3A_192 : memref<10000x128xf32, #tpu.memory_space<hbm>>) dst(%arg20 : memref<128x128xf32, #tpu.memory_space<vmem>>)
      %dma_start3A_193 = arith.constant 0 : i32
      %dma_start3A_194 = arith.constant 0 : i32
      %dma_start3A_195 = tpu.memref_slice %arg23[%dma_start3A_193, %dma_start3A_194] : memref<10000x128xf32, #tpu.memory_space<vmem_shared>> -> memref<10000x128xf32, #tpu.memory_space<vmem_shared>>
      tpu.enqueue_indirect_dma source(%arg20 : memref<128x128xf32, #tpu.memory_space<vmem>>) target(%dma_start3A_195 : memref<10000x128xf32, #tpu.memory_space<vmem_shared>>) offsets(%arg14 : memref<128xi32, #tpu.memory_space<vmem>>) semaphore(%arg29 : memref<!tpu.dma_semaphore, #tpu.memory_space<semaphore_mem>>) {add = true}
      %dma_wait3A_196 = arith.constant 0 : i32
      %dma_wait3A_197 = arith.constant 0 : i32
      %dma_wait3A_198 = tpu.memref_slice %arg23[%dma_wait3A_196, %dma_wait3A_197] : memref<10000x128xf32, #tpu.memory_space<vmem_shared>> -> memref<10000x128xf32, #tpu.memory_space<vmem_shared>>
      tpu.wait_indirect_dma semaphore(%arg28 : memref<!tpu.dma_semaphore, #tpu.memory_space<semaphore_mem>>) src(%arg19 : memref<128x128xf32, #tpu.memory_space<vmem>>) dst(%dma_wait3A_198 : memref<10000x128xf32, #tpu.memory_space<vmem_shared>>)
      %dma_wait3A_199 = arith.constant 0 : i32
      %dma_wait3A_200 = tpu.memref_slice %arg2[%dma_wait3A_199] : memref<320512xi32, #tpu.memory_space<hbm>> -> memref<128xi32, #tpu.memory_space<hbm>>
      %dma_wait3A_201 = arith.constant 0 : i32
      %dma_wait3A_202 = tpu.memref_slice %arg2[%dma_wait3A_201] : memref<320512xi32, #tpu.memory_space<hbm>> -> memref<128xi32, #tpu.memory_space<hbm>>
      tpu.wait_dma2 semaphore(%arg34 : memref<!tpu.dma_semaphore, #tpu.memory_space<semaphore_mem>>) src(%dma_wait3A_202 : memref<128xi32, #tpu.memory_space<hbm>>) dst(%arg10 : memref<128xi32, #tpu.memory_space<vmem>>)
      %dma_wait3A_203 = arith.constant 0 : i32
      %dma_wait3A_204 = tpu.memref_slice %arg3[%dma_wait3A_203] : memref<320512xi32, #tpu.memory_space<hbm>> -> memref<128xi32, #tpu.memory_space<hbm>>
      %dma_wait3A_205 = arith.constant 0 : i32
      %dma_wait3A_206 = tpu.memref_slice %arg3[%dma_wait3A_205] : memref<320512xi32, #tpu.memory_space<hbm>> -> memref<128xi32, #tpu.memory_space<hbm>>
      tpu.wait_dma2 semaphore(%arg34 : memref<!tpu.dma_semaphore, #tpu.memory_space<semaphore_mem>>) src(%dma_wait3A_206 : memref<128xi32, #tpu.memory_space<hbm>>) dst(%arg16 : memref<128xi32, #tpu.memory_space<vmem>>)
      %dma_start3A_207 = arith.constant 0 : i32
      %dma_start3A_208 = arith.constant 0 : i32
      %dma_start3A_209 = tpu.memref_slice %arg4[%dma_start3A_207, %dma_start3A_208] : memref<10000x128xf32, #tpu.memory_space<hbm>> -> memref<10000x128xf32, #tpu.memory_space<hbm>>
      tpu.enqueue_indirect_dma source(%dma_start3A_209 : memref<10000x128xf32, #tpu.memory_space<hbm>>) target(%arg19 : memref<128x128xf32, #tpu.memory_space<vmem>>) offsets(%arg10 : memref<128xi32, #tpu.memory_space<vmem>>) semaphore(%arg25 : memref<!tpu.dma_semaphore, #tpu.memory_space<semaphore_mem>>)
      %add3A_210 = arith.constant 4 : i32
      %add3A_211 = arith.addi %add3A_189, %add3A_210 : i32
      %mul3A_212 = arith.constant 128 : i32
      %mul3A_213 = arith.muli %add3A_211, %mul3A_212 : i32
      %add3A_214 = arith.addi %mul3A_2, %mul3A_213 : i32
      %dma_start3A_215 = tpu.memref_slice %arg2[%add3A_214] : memref<320512xi32, #tpu.memory_space<hbm>> -> memref<128xi32, #tpu.memory_space<hbm>>
      %dma_start3A_216 = tpu.memref_slice %arg2[%add3A_214] : memref<320512xi32, #tpu.memory_space<hbm>> -> memref<128xi32, #tpu.memory_space<hbm>>
      tpu.enqueue_dma source(%dma_start3A_216 : memref<128xi32, #tpu.memory_space<hbm>>) target(%arg6 : memref<128xi32, #tpu.memory_space<vmem>>) target_semaphore(%arg30 : memref<!tpu.dma_semaphore, #tpu.memory_space<semaphore_mem>>)
      %dma_start3A_217 = tpu.memref_slice %arg3[%add3A_214] : memref<320512xi32, #tpu.memory_space<hbm>> -> memref<128xi32, #tpu.memory_space<hbm>>
      %dma_start3A_218 = tpu.memref_slice %arg3[%add3A_214] : memref<320512xi32, #tpu.memory_space<hbm>> -> memref<128xi32, #tpu.memory_space<hbm>>
      tpu.enqueue_dma source(%dma_start3A_218 : memref<128xi32, #tpu.memory_space<hbm>>) target(%arg12 : memref<128xi32, #tpu.memory_space<vmem>>) target_semaphore(%arg30 : memref<!tpu.dma_semaphore, #tpu.memory_space<semaphore_mem>>)
      %mul3A_219 = arith.constant 6 : i32
      %mul3A_220 = arith.muli %mul3A_219, %scan3A_118 : i32
      %add3A_221 = arith.constant 3 : i32
      %add3A_222 = arith.addi %mul3A_220, %add3A_221 : i32
      %dma_wait3A_223 = arith.constant 0 : i32
      %dma_wait3A_224 = arith.constant 0 : i32
      %dma_wait3A_225 = tpu.memref_slice %arg4[%dma_wait3A_223, %dma_wait3A_224] : memref<10000x128xf32, #tpu.memory_space<hbm>> -> memref<10000x128xf32, #tpu.memory_space<hbm>>
      tpu.wait_indirect_dma semaphore(%arg24 : memref<!tpu.dma_semaphore, #tpu.memory_space<semaphore_mem>>) src(%dma_wait3A_225 : memref<10000x128xf32, #tpu.memory_space<hbm>>) dst(%arg18 : memref<128x128xf32, #tpu.memory_space<vmem>>)
      %dma_start3A_226 = arith.constant 0 : i32
      %dma_start3A_227 = arith.constant 0 : i32
      %dma_start3A_228 = tpu.memref_slice %arg23[%dma_start3A_226, %dma_start3A_227] : memref<10000x128xf32, #tpu.memory_space<vmem_shared>> -> memref<10000x128xf32, #tpu.memory_space<vmem_shared>>
      tpu.enqueue_indirect_dma source(%arg18 : memref<128x128xf32, #tpu.memory_space<vmem>>) target(%dma_start3A_228 : memref<10000x128xf32, #tpu.memory_space<vmem_shared>>) offsets(%arg15 : memref<128xi32, #tpu.memory_space<vmem>>) semaphore(%arg27 : memref<!tpu.dma_semaphore, #tpu.memory_space<semaphore_mem>>) {add = true}
      %dma_wait3A_229 = arith.constant 0 : i32
      %dma_wait3A_230 = arith.constant 0 : i32
      %dma_wait3A_231 = tpu.memref_slice %arg23[%dma_wait3A_229, %dma_wait3A_230] : memref<10000x128xf32, #tpu.memory_space<vmem_shared>> -> memref<10000x128xf32, #tpu.memory_space<vmem_shared>>
      tpu.wait_indirect_dma semaphore(%arg29 : memref<!tpu.dma_semaphore, #tpu.memory_space<semaphore_mem>>) src(%arg20 : memref<128x128xf32, #tpu.memory_space<vmem>>) dst(%dma_wait3A_231 : memref<10000x128xf32, #tpu.memory_space<vmem_shared>>)
      %dma_wait3A_232 = arith.constant 0 : i32
      %dma_wait3A_233 = tpu.memref_slice %arg2[%dma_wait3A_232] : memref<320512xi32, #tpu.memory_space<hbm>> -> memref<128xi32, #tpu.memory_space<hbm>>
      %dma_wait3A_234 = arith.constant 0 : i32
      %dma_wait3A_235 = tpu.memref_slice %arg2[%dma_wait3A_234] : memref<320512xi32, #tpu.memory_space<hbm>> -> memref<128xi32, #tpu.memory_space<hbm>>
      tpu.wait_dma2 semaphore(%arg35 : memref<!tpu.dma_semaphore, #tpu.memory_space<semaphore_mem>>) src(%dma_wait3A_235 : memref<128xi32, #tpu.memory_space<hbm>>) dst(%arg11 : memref<128xi32, #tpu.memory_space<vmem>>)
      %dma_wait3A_236 = arith.constant 0 : i32
      %dma_wait3A_237 = tpu.memref_slice %arg3[%dma_wait3A_236] : memref<320512xi32, #tpu.memory_space<hbm>> -> memref<128xi32, #tpu.memory_space<hbm>>
      %dma_wait3A_238 = arith.constant 0 : i32
      %dma_wait3A_239 = tpu.memref_slice %arg3[%dma_wait3A_238] : memref<320512xi32, #tpu.memory_space<hbm>> -> memref<128xi32, #tpu.memory_space<hbm>>
      tpu.wait_dma2 semaphore(%arg35 : memref<!tpu.dma_semaphore, #tpu.memory_space<semaphore_mem>>) src(%dma_wait3A_239 : memref<128xi32, #tpu.memory_space<hbm>>) dst(%arg17 : memref<128xi32, #tpu.memory_space<vmem>>)
      %dma_start3A_240 = arith.constant 0 : i32
      %dma_start3A_241 = arith.constant 0 : i32
      %dma_start3A_242 = tpu.memref_slice %arg4[%dma_start3A_240, %dma_start3A_241] : memref<10000x128xf32, #tpu.memory_space<hbm>> -> memref<10000x128xf32, #tpu.memory_space<hbm>>
      tpu.enqueue_indirect_dma source(%dma_start3A_242 : memref<10000x128xf32, #tpu.memory_space<hbm>>) target(%arg20 : memref<128x128xf32, #tpu.memory_space<vmem>>) offsets(%arg11 : memref<128xi32, #tpu.memory_space<vmem>>) semaphore(%arg26 : memref<!tpu.dma_semaphore, #tpu.memory_space<semaphore_mem>>)
      %add3A_243 = arith.constant 4 : i32
      %add3A_244 = arith.addi %add3A_222, %add3A_243 : i32
      %mul3A_245 = arith.constant 128 : i32
      %mul3A_246 = arith.muli %add3A_244, %mul3A_245 : i32
      %add3A_247 = arith.addi %mul3A_2, %mul3A_246 : i32
      %dma_start3A_248 = tpu.memref_slice %arg2[%add3A_247] : memref<320512xi32, #tpu.memory_space<hbm>> -> memref<128xi32, #tpu.memory_space<hbm>>
      %dma_start3A_249 = tpu.memref_slice %arg2[%add3A_247] : memref<320512xi32, #tpu.memory_space<hbm>> -> memref<128xi32, #tpu.memory_space<hbm>>
      tpu.enqueue_dma source(%dma_start3A_249 : memref<128xi32, #tpu.memory_space<hbm>>) target(%arg7 : memref<128xi32, #tpu.memory_space<vmem>>) target_semaphore(%arg31 : memref<!tpu.dma_semaphore, #tpu.memory_space<semaphore_mem>>)
      %dma_start3A_250 = tpu.memref_slice %arg3[%add3A_247] : memref<320512xi32, #tpu.memory_space<hbm>> -> memref<128xi32, #tpu.memory_space<hbm>>
      %dma_start3A_251 = tpu.memref_slice %arg3[%add3A_247] : memref<320512xi32, #tpu.memory_space<hbm>> -> memref<128xi32, #tpu.memory_space<hbm>>
      tpu.enqueue_dma source(%dma_start3A_251 : memref<128xi32, #tpu.memory_space<hbm>>) target(%arg13 : memref<128xi32, #tpu.memory_space<vmem>>) target_semaphore(%arg31 : memref<!tpu.dma_semaphore, #tpu.memory_space<semaphore_mem>>)
      %mul3A_252 = arith.constant 6 : i32
      %mul3A_253 = arith.muli %mul3A_252, %scan3A_118 : i32
      %add3A_254 = arith.constant 4 : i32
      %add3A_255 = arith.addi %mul3A_253, %add3A_254 : i32
      %dma_wait3A_256 = arith.constant 0 : i32
      %dma_wait3A_257 = arith.constant 0 : i32
      %dma_wait3A_258 = tpu.memref_slice %arg4[%dma_wait3A_256, %dma_wait3A_257] : memref<10000x128xf32, #tpu.memory_space<hbm>> -> memref<10000x128xf32, #tpu.memory_space<hbm>>
      tpu.wait_indirect_dma semaphore(%arg25 : memref<!tpu.dma_semaphore, #tpu.memory_space<semaphore_mem>>) src(%dma_wait3A_258 : memref<10000x128xf32, #tpu.memory_space<hbm>>) dst(%arg19 : memref<128x128xf32, #tpu.memory_space<vmem>>)
      %dma_start3A_259 = arith.constant 0 : i32
      %dma_start3A_260 = arith.constant 0 : i32
      %dma_start3A_261 = tpu.memref_slice %arg23[%dma_start3A_259, %dma_start3A_260] : memref<10000x128xf32, #tpu.memory_space<vmem_shared>> -> memref<10000x128xf32, #tpu.memory_space<vmem_shared>>
      tpu.enqueue_indirect_dma source(%arg19 : memref<128x128xf32, #tpu.memory_space<vmem>>) target(%dma_start3A_261 : memref<10000x128xf32, #tpu.memory_space<vmem_shared>>) offsets(%arg16 : memref<128xi32, #tpu.memory_space<vmem>>) semaphore(%arg28 : memref<!tpu.dma_semaphore, #tpu.memory_space<semaphore_mem>>) {add = true}
      %dma_wait3A_262 = arith.constant 0 : i32
      %dma_wait3A_263 = arith.constant 0 : i32
      %dma_wait3A_264 = tpu.memref_slice %arg23[%dma_wait3A_262, %dma_wait3A_263] : memref<10000x128xf32, #tpu.memory_space<vmem_shared>> -> memref<10000x128xf32, #tpu.memory_space<vmem_shared>>
      tpu.wait_indirect_dma semaphore(%arg27 : memref<!tpu.dma_semaphore, #tpu.memory_space<semaphore_mem>>) src(%arg18 : memref<128x128xf32, #tpu.memory_space<vmem>>) dst(%dma_wait3A_264 : memref<10000x128xf32, #tpu.memory_space<vmem_shared>>)
      %dma_wait3A_265 = arith.constant 0 : i32
      %dma_wait3A_266 = tpu.memref_slice %arg2[%dma_wait3A_265] : memref<320512xi32, #tpu.memory_space<hbm>> -> memref<128xi32, #tpu.memory_space<hbm>>
      %dma_wait3A_267 = arith.constant 0 : i32
      %dma_wait3A_268 = tpu.memref_slice %arg2[%dma_wait3A_267] : memref<320512xi32, #tpu.memory_space<hbm>> -> memref<128xi32, #tpu.memory_space<hbm>>
      tpu.wait_dma2 semaphore(%arg30 : memref<!tpu.dma_semaphore, #tpu.memory_space<semaphore_mem>>) src(%dma_wait3A_268 : memref<128xi32, #tpu.memory_space<hbm>>) dst(%arg6 : memref<128xi32, #tpu.memory_space<vmem>>)
      %dma_wait3A_269 = arith.constant 0 : i32
      %dma_wait3A_270 = tpu.memref_slice %arg3[%dma_wait3A_269] : memref<320512xi32, #tpu.memory_space<hbm>> -> memref<128xi32, #tpu.memory_space<hbm>>
      %dma_wait3A_271 = arith.constant 0 : i32
      %dma_wait3A_272 = tpu.memref_slice %arg3[%dma_wait3A_271] : memref<320512xi32, #tpu.memory_space<hbm>> -> memref<128xi32, #tpu.memory_space<hbm>>
      tpu.wait_dma2 semaphore(%arg30 : memref<!tpu.dma_semaphore, #tpu.memory_space<semaphore_mem>>) src(%dma_wait3A_272 : memref<128xi32, #tpu.memory_space<hbm>>) dst(%arg12 : memref<128xi32, #tpu.memory_space<vmem>>)
      %dma_start3A_273 = arith.constant 0 : i32
      %dma_start3A_274 = arith.constant 0 : i32
      %dma_start3A_275 = tpu.memref_slice %arg4[%dma_start3A_273, %dma_start3A_274] : memref<10000x128xf32, #tpu.memory_space<hbm>> -> memref<10000x128xf32, #tpu.memory_space<hbm>>
      tpu.enqueue_indirect_dma source(%dma_start3A_275 : memref<10000x128xf32, #tpu.memory_space<hbm>>) target(%arg18 : memref<128x128xf32, #tpu.memory_space<vmem>>) offsets(%arg6 : memref<128xi32, #tpu.memory_space<vmem>>) semaphore(%arg24 : memref<!tpu.dma_semaphore, #tpu.memory_space<semaphore_mem>>)
      %add3A_276 = arith.constant 4 : i32
      %add3A_277 = arith.addi %add3A_255, %add3A_276 : i32
      %mul3A_278 = arith.constant 128 : i32
      %mul3A_279 = arith.muli %add3A_277, %mul3A_278 : i32
      %add3A_280 = arith.addi %mul3A_2, %mul3A_279 : i32
      %dma_start3A_281 = tpu.memref_slice %arg2[%add3A_280] : memref<320512xi32, #tpu.memory_space<hbm>> -> memref<128xi32, #tpu.memory_space<hbm>>
      %dma_start3A_282 = tpu.memref_slice %arg2[%add3A_280] : memref<320512xi32, #tpu.memory_space<hbm>> -> memref<128xi32, #tpu.memory_space<hbm>>
      tpu.enqueue_dma source(%dma_start3A_282 : memref<128xi32, #tpu.memory_space<hbm>>) target(%arg8 : memref<128xi32, #tpu.memory_space<vmem>>) target_semaphore(%arg32 : memref<!tpu.dma_semaphore, #tpu.memory_space<semaphore_mem>>)
      %dma_start3A_283 = tpu.memref_slice %arg3[%add3A_280] : memref<320512xi32, #tpu.memory_space<hbm>> -> memref<128xi32, #tpu.memory_space<hbm>>
      %dma_start3A_284 = tpu.memref_slice %arg3[%add3A_280] : memref<320512xi32, #tpu.memory_space<hbm>> -> memref<128xi32, #tpu.memory_space<hbm>>
      tpu.enqueue_dma source(%dma_start3A_284 : memref<128xi32, #tpu.memory_space<hbm>>) target(%arg14 : memref<128xi32, #tpu.memory_space<vmem>>) target_semaphore(%arg32 : memref<!tpu.dma_semaphore, #tpu.memory_space<semaphore_mem>>)
      %mul3A_285 = arith.constant 6 : i32
      %mul3A_286 = arith.muli %mul3A_285, %scan3A_118 : i32
      %add3A_287 = arith.constant 5 : i32
      %add3A_288 = arith.addi %mul3A_286, %add3A_287 : i32
      %dma_wait3A_289 = arith.constant 0 : i32
      %dma_wait3A_290 = arith.constant 0 : i32
      %dma_wait3A_291 = tpu.memref_slice %arg4[%dma_wait3A_289, %dma_wait3A_290] : memref<10000x128xf32, #tpu.memory_space<hbm>> -> memref<10000x128xf32, #tpu.memory_space<hbm>>
      tpu.wait_indirect_dma semaphore(%arg26 : memref<!tpu.dma_semaphore, #tpu.memory_space<semaphore_mem>>) src(%dma_wait3A_291 : memref<10000x128xf32, #tpu.memory_space<hbm>>) dst(%arg20 : memref<128x128xf32, #tpu.memory_space<vmem>>)
      %dma_start3A_292 = arith.constant 0 : i32
      %dma_start3A_293 = arith.constant 0 : i32
      %dma_start3A_294 = tpu.memref_slice %arg23[%dma_start3A_292, %dma_start3A_293] : memref<10000x128xf32, #tpu.memory_space<vmem_shared>> -> memref<10000x128xf32, #tpu.memory_space<vmem_shared>>
      tpu.enqueue_indirect_dma source(%arg20 : memref<128x128xf32, #tpu.memory_space<vmem>>) target(%dma_start3A_294 : memref<10000x128xf32, #tpu.memory_space<vmem_shared>>) offsets(%arg17 : memref<128xi32, #tpu.memory_space<vmem>>) semaphore(%arg29 : memref<!tpu.dma_semaphore, #tpu.memory_space<semaphore_mem>>) {add = true}
      %dma_wait3A_295 = arith.constant 0 : i32
      %dma_wait3A_296 = arith.constant 0 : i32
      %dma_wait3A_297 = tpu.memref_slice %arg23[%dma_wait3A_295, %dma_wait3A_296] : memref<10000x128xf32, #tpu.memory_space<vmem_shared>> -> memref<10000x128xf32, #tpu.memory_space<vmem_shared>>
      tpu.wait_indirect_dma semaphore(%arg28 : memref<!tpu.dma_semaphore, #tpu.memory_space<semaphore_mem>>) src(%arg19 : memref<128x128xf32, #tpu.memory_space<vmem>>) dst(%dma_wait3A_297 : memref<10000x128xf32, #tpu.memory_space<vmem_shared>>)
      %dma_wait3A_298 = arith.constant 0 : i32
      %dma_wait3A_299 = tpu.memref_slice %arg2[%dma_wait3A_298] : memref<320512xi32, #tpu.memory_space<hbm>> -> memref<128xi32, #tpu.memory_space<hbm>>
      %dma_wait3A_300 = arith.constant 0 : i32
      %dma_wait3A_301 = tpu.memref_slice %arg2[%dma_wait3A_300] : memref<320512xi32, #tpu.memory_space<hbm>> -> memref<128xi32, #tpu.memory_space<hbm>>
      tpu.wait_dma2 semaphore(%arg31 : memref<!tpu.dma_semaphore, #tpu.memory_space<semaphore_mem>>) src(%dma_wait3A_301 : memref<128xi32, #tpu.memory_space<hbm>>) dst(%arg7 : memref<128xi32, #tpu.memory_space<vmem>>)
      %dma_wait3A_302 = arith.constant 0 : i32
      %dma_wait3A_303 = tpu.memref_slice %arg3[%dma_wait3A_302] : memref<320512xi32, #tpu.memory_space<hbm>> -> memref<128xi32, #tpu.memory_space<hbm>>
      %dma_wait3A_304 = arith.constant 0 : i32
      %dma_wait3A_305 = tpu.memref_slice %arg3[%dma_wait3A_304] : memref<320512xi32, #tpu.memory_space<hbm>> -> memref<128xi32, #tpu.memory_space<hbm>>
      tpu.wait_dma2 semaphore(%arg31 : memref<!tpu.dma_semaphore, #tpu.memory_space<semaphore_mem>>) src(%dma_wait3A_305 : memref<128xi32, #tpu.memory_space<hbm>>) dst(%arg13 : memref<128xi32, #tpu.memory_space<vmem>>)
      %dma_start3A_306 = arith.constant 0 : i32
      %dma_start3A_307 = arith.constant 0 : i32
      %dma_start3A_308 = tpu.memref_slice %arg4[%dma_start3A_306, %dma_start3A_307] : memref<10000x128xf32, #tpu.memory_space<hbm>> -> memref<10000x128xf32, #tpu.memory_space<hbm>>
      tpu.enqueue_indirect_dma source(%dma_start3A_308 : memref<10000x128xf32, #tpu.memory_space<hbm>>) target(%arg19 : memref<128x128xf32, #tpu.memory_space<vmem>>) offsets(%arg7 : memref<128xi32, #tpu.memory_space<vmem>>) semaphore(%arg25 : memref<!tpu.dma_semaphore, #tpu.memory_space<semaphore_mem>>)
      %add3A_309 = arith.constant 4 : i32
      %add3A_310 = arith.addi %add3A_288, %add3A_309 : i32
      %mul3A_311 = arith.constant 128 : i32
      %mul3A_312 = arith.muli %add3A_310, %mul3A_311 : i32
      %add3A_313 = arith.addi %mul3A_2, %mul3A_312 : i32
      %dma_start3A_314 = tpu.memref_slice %arg2[%add3A_313] : memref<320512xi32, #tpu.memory_space<hbm>> -> memref<128xi32, #tpu.memory_space<hbm>>
      %dma_start3A_315 = tpu.memref_slice %arg2[%add3A_313] : memref<320512xi32, #tpu.memory_space<hbm>> -> memref<128xi32, #tpu.memory_space<hbm>>
      tpu.enqueue_dma source(%dma_start3A_315 : memref<128xi32, #tpu.memory_space<hbm>>) target(%arg9 : memref<128xi32, #tpu.memory_space<vmem>>) target_semaphore(%arg33 : memref<!tpu.dma_semaphore, #tpu.memory_space<semaphore_mem>>)
      %dma_start3A_316 = tpu.memref_slice %arg3[%add3A_313] : memref<320512xi32, #tpu.memory_space<hbm>> -> memref<128xi32, #tpu.memory_space<hbm>>
      %dma_start3A_317 = tpu.memref_slice %arg3[%add3A_313] : memref<320512xi32, #tpu.memory_space<hbm>> -> memref<128xi32, #tpu.memory_space<hbm>>
      tpu.enqueue_dma source(%dma_start3A_317 : memref<128xi32, #tpu.memory_space<hbm>>) target(%arg15 : memref<128xi32, #tpu.memory_space<vmem>>) target_semaphore(%arg33 : memref<!tpu.dma_semaphore, #tpu.memory_space<semaphore_mem>>)
    }
    %scan3A_72 = arith.constant 13 : i32
    %dma_wait3A_73 = arith.constant 0 : i32
    %dma_wait3A_74 = arith.constant 0 : i32
    %dma_wait3A_75 = tpu.memref_slice %arg23[%dma_wait3A_73, %dma_wait3A_74] : memref<10000x128xf32, #tpu.memory_space<vmem_shared>> -> memref<10000x128xf32, #tpu.memory_space<vmem_shared>>
    tpu.wait_indirect_dma semaphore(%arg29 : memref<!tpu.dma_semaphore, #tpu.memory_space<semaphore_mem>>) src(%arg20 : memref<128x128xf32, #tpu.memory_space<vmem>>) dst(%dma_wait3A_75 : memref<10000x128xf32, #tpu.memory_space<vmem_shared>>)
    %dma_wait3A_76 = arith.constant 0 : i32
    %dma_wait3A_77 = arith.constant 0 : i32
    %dma_wait3A_78 = tpu.memref_slice %arg4[%dma_wait3A_76, %dma_wait3A_77] : memref<10000x128xf32, #tpu.memory_space<hbm>> -> memref<10000x128xf32, #tpu.memory_space<hbm>>
    tpu.wait_indirect_dma semaphore(%arg24 : memref<!tpu.dma_semaphore, #tpu.memory_space<semaphore_mem>>) src(%dma_wait3A_78 : memref<10000x128xf32, #tpu.memory_space<hbm>>) dst(%arg18 : memref<128x128xf32, #tpu.memory_space<vmem>>)
    %dma_wait3A_79 = arith.constant 0 : i32
    %dma_wait3A_80 = arith.constant 0 : i32
    %dma_wait3A_81 = tpu.memref_slice %arg4[%dma_wait3A_79, %dma_wait3A_80] : memref<10000x128xf32, #tpu.memory_space<hbm>> -> memref<10000x128xf32, #tpu.memory_space<hbm>>
    tpu.wait_indirect_dma semaphore(%arg25 : memref<!tpu.dma_semaphore, #tpu.memory_space<semaphore_mem>>) src(%dma_wait3A_81 : memref<10000x128xf32, #tpu.memory_space<hbm>>) dst(%arg19 : memref<128x128xf32, #tpu.memory_space<vmem>>)
    %dma_wait3A_82 = arith.constant 0 : i32
    %dma_wait3A_83 = tpu.memref_slice %arg2[%dma_wait3A_82] : memref<320512xi32, #tpu.memory_space<hbm>> -> memref<128xi32, #tpu.memory_space<hbm>>
    %dma_wait3A_84 = arith.constant 0 : i32
    %dma_wait3A_85 = tpu.memref_slice %arg2[%dma_wait3A_84] : memref<320512xi32, #tpu.memory_space<hbm>> -> memref<128xi32, #tpu.memory_space<hbm>>
    tpu.wait_dma2 semaphore(%arg32 : memref<!tpu.dma_semaphore, #tpu.memory_space<semaphore_mem>>) src(%dma_wait3A_85 : memref<128xi32, #tpu.memory_space<hbm>>) dst(%arg8 : memref<128xi32, #tpu.memory_space<vmem>>)
    %dma_wait3A_86 = arith.constant 0 : i32
    %dma_wait3A_87 = tpu.memref_slice %arg3[%dma_wait3A_86] : memref<320512xi32, #tpu.memory_space<hbm>> -> memref<128xi32, #tpu.memory_space<hbm>>
    %dma_wait3A_88 = arith.constant 0 : i32
    %dma_wait3A_89 = tpu.memref_slice %arg3[%dma_wait3A_88] : memref<320512xi32, #tpu.memory_space<hbm>> -> memref<128xi32, #tpu.memory_space<hbm>>
    tpu.wait_dma2 semaphore(%arg32 : memref<!tpu.dma_semaphore, #tpu.memory_space<semaphore_mem>>) src(%dma_wait3A_89 : memref<128xi32, #tpu.memory_space<hbm>>) dst(%arg14 : memref<128xi32, #tpu.memory_space<vmem>>)
    %dma_wait3A_90 = arith.constant 0 : i32
    %dma_wait3A_91 = tpu.memref_slice %arg2[%dma_wait3A_90] : memref<320512xi32, #tpu.memory_space<hbm>> -> memref<128xi32, #tpu.memory_space<hbm>>
    %dma_wait3A_92 = arith.constant 0 : i32
    %dma_wait3A_93 = tpu.memref_slice %arg2[%dma_wait3A_92] : memref<320512xi32, #tpu.memory_space<hbm>> -> memref<128xi32, #tpu.memory_space<hbm>>
    tpu.wait_dma2 semaphore(%arg33 : memref<!tpu.dma_semaphore, #tpu.memory_space<semaphore_mem>>) src(%dma_wait3A_93 : memref<128xi32, #tpu.memory_space<hbm>>) dst(%arg9 : memref<128xi32, #tpu.memory_space<vmem>>)
    %dma_wait3A_94 = arith.constant 0 : i32
    %dma_wait3A_95 = tpu.memref_slice %arg3[%dma_wait3A_94] : memref<320512xi32, #tpu.memory_space<hbm>> -> memref<128xi32, #tpu.memory_space<hbm>>
    %dma_wait3A_96 = arith.constant 0 : i32
    %dma_wait3A_97 = tpu.memref_slice %arg3[%dma_wait3A_96] : memref<320512xi32, #tpu.memory_space<hbm>> -> memref<128xi32, #tpu.memory_space<hbm>>
    tpu.wait_dma2 semaphore(%arg33 : memref<!tpu.dma_semaphore, #tpu.memory_space<semaphore_mem>>) src(%dma_wait3A_97 : memref<128xi32, #tpu.memory_space<hbm>>) dst(%arg15 : memref<128xi32, #tpu.memory_space<vmem>>)
    %add3A_98 = arith.constant 9984 : i32
    %add3A_99 = arith.addi %mul3A_2, %add3A_98 : i32
    "tpu.region"() ({
      %run_scoped3A = tpu.sem_alloc : memref<!tpu.dma_semaphore, #tpu.memory_space<semaphore_mem>>
      %dma_start3A_118 = tpu.memref_slice %arg2[%add3A_99] : memref<320512xi32, #tpu.memory_space<hbm>> -> memref<16xi32, #tpu.memory_space<hbm>>
      %dma_start3A_119 = tpu.memref_slice %arg2[%add3A_99] : memref<320512xi32, #tpu.memory_space<hbm>> -> memref<16xi32, #tpu.memory_space<hbm>>
      tpu.enqueue_dma source(%dma_start3A_119 : memref<16xi32, #tpu.memory_space<hbm>>) target(%arg21 : memref<16xi32, #tpu.memory_space<vmem>>) target_semaphore(%run_scoped3A : memref<!tpu.dma_semaphore, #tpu.memory_space<semaphore_mem>>)
      %dma_wait3A_120 = tpu.memref_slice %arg2[%add3A_99] : memref<320512xi32, #tpu.memory_space<hbm>> -> memref<16xi32, #tpu.memory_space<hbm>>
      %dma_wait3A_121 = tpu.memref_slice %arg2[%add3A_99] : memref<320512xi32, #tpu.memory_space<hbm>> -> memref<16xi32, #tpu.memory_space<hbm>>
      tpu.wait_dma2 semaphore(%run_scoped3A : memref<!tpu.dma_semaphore, #tpu.memory_space<semaphore_mem>>) src(%dma_wait3A_121 : memref<16xi32, #tpu.memory_space<hbm>>) dst(%arg21 : memref<16xi32, #tpu.memory_space<vmem>>)
      tpu.yield
    }) : () -> ()
    "tpu.region"() ({
      %run_scoped3A = tpu.sem_alloc : memref<!tpu.dma_semaphore, #tpu.memory_space<semaphore_mem>>
      %dma_start3A_118 = tpu.memref_slice %arg3[%add3A_99] : memref<320512xi32, #tpu.memory_space<hbm>> -> memref<16xi32, #tpu.memory_space<hbm>>
      %dma_start3A_119 = tpu.memref_slice %arg3[%add3A_99] : memref<320512xi32, #tpu.memory_space<hbm>> -> memref<16xi32, #tpu.memory_space<hbm>>
      tpu.enqueue_dma source(%dma_start3A_119 : memref<16xi32, #tpu.memory_space<hbm>>) target(%arg22 : memref<16xi32, #tpu.memory_space<vmem>>) target_semaphore(%run_scoped3A : memref<!tpu.dma_semaphore, #tpu.memory_space<semaphore_mem>>)
      %dma_wait3A_120 = tpu.memref_slice %arg3[%add3A_99] : memref<320512xi32, #tpu.memory_space<hbm>> -> memref<16xi32, #tpu.memory_space<hbm>>
      %dma_wait3A_121 = tpu.memref_slice %arg3[%add3A_99] : memref<320512xi32, #tpu.memory_space<hbm>> -> memref<16xi32, #tpu.memory_space<hbm>>
      tpu.wait_dma2 semaphore(%run_scoped3A : memref<!tpu.dma_semaphore, #tpu.memory_space<semaphore_mem>>) src(%dma_wait3A_121 : memref<16xi32, #tpu.memory_space<hbm>>) dst(%arg22 : memref<16xi32, #tpu.memory_space<vmem>>)
      tpu.yield
    }) : () -> ()
    %dma_start3A_100 = arith.constant 0 : i32
    %dma_start3A_101 = arith.constant 0 : i32
    %dma_start3A_102 = tpu.memref_slice %arg18[%dma_start3A_100, %dma_start3A_101] : memref<128x128xf32, #tpu.memory_space<vmem>> -> memref<16x128xf32, #tpu.memory_space<vmem>>
    %dma_start3A_103 = arith.constant 0 : i32
    %dma_start3A_104 = arith.constant 0 : i32
    %dma_start3A_105 = tpu.memref_slice %arg4[%dma_start3A_103, %dma_start3A_104] : memref<10000x128xf32, #tpu.memory_space<hbm>> -> memref<10000x128xf32, #tpu.memory_space<hbm>>
    tpu.enqueue_indirect_dma source(%dma_start3A_105 : memref<10000x128xf32, #tpu.memory_space<hbm>>) target(%dma_start3A_102 : memref<16x128xf32, #tpu.memory_space<vmem>>) offsets(%arg21 : memref<16xi32, #tpu.memory_space<vmem>>) semaphore(%arg24 : memref<!tpu.dma_semaphore, #tpu.memory_space<semaphore_mem>>)
    %dma_wait3A_106 = arith.constant 0 : i32
    %dma_wait3A_107 = arith.constant 0 : i32
    %dma_wait3A_108 = tpu.memref_slice %arg18[%dma_wait3A_106, %dma_wait3A_107] : memref<128x128xf32, #tpu.memory_space<vmem>> -> memref<16x128xf32, #tpu.memory_space<vmem>>
    %dma_wait3A_109 = arith.constant 0 : i32
    %dma_wait3A_110 = arith.constant 0 : i32
    %dma_wait3A_111 = tpu.memref_slice %arg4[%dma_wait3A_109, %dma_wait3A_110] : memref<10000x128xf32, #tpu.memory_space<hbm>> -> memref<10000x128xf32, #tpu.memory_space<hbm>>
    tpu.wait_indirect_dma semaphore(%arg24 : memref<!tpu.dma_semaphore, #tpu.memory_space<semaphore_mem>>) src(%dma_wait3A_111 : memref<10000x128xf32, #tpu.memory_space<hbm>>) dst(%dma_wait3A_108 : memref<16x128xf32, #tpu.memory_space<vmem>>)
    "tpu.region"() ({
      %run_scoped3A = tpu.sem_alloc : memref<!tpu.dma_semaphore, #tpu.memory_space<semaphore_mem>>
      %dma_start3A_118 = arith.constant 0 : i32
      %dma_start3A_119 = arith.constant 0 : i32
      %dma_start3A_120 = tpu.memref_slice %arg18[%dma_start3A_118, %dma_start3A_119] : memref<128x128xf32, #tpu.memory_space<vmem>> -> memref<16x128xf32, #tpu.memory_space<vmem>>
      %dma_start3A_121 = arith.constant 0 : i32
      %dma_start3A_122 = arith.constant 0 : i32
      %dma_start3A_123 = tpu.memref_slice %arg23[%dma_start3A_121, %dma_start3A_122] : memref<10000x128xf32, #tpu.memory_space<vmem_shared>> -> memref<10000x128xf32, #tpu.memory_space<vmem_shared>>
      tpu.enqueue_indirect_dma source(%dma_start3A_120 : memref<16x128xf32, #tpu.memory_space<vmem>>) target(%dma_start3A_123 : memref<10000x128xf32, #tpu.memory_space<vmem_shared>>) offsets(%arg22 : memref<16xi32, #tpu.memory_space<vmem>>) semaphore(%run_scoped3A : memref<!tpu.dma_semaphore, #tpu.memory_space<semaphore_mem>>) {add = true}
      %dma_wait3A_124 = arith.constant 0 : i32
      %dma_wait3A_125 = arith.constant 0 : i32
      %dma_wait3A_126 = tpu.memref_slice %arg18[%dma_wait3A_124, %dma_wait3A_125] : memref<128x128xf32, #tpu.memory_space<vmem>> -> memref<16x128xf32, #tpu.memory_space<vmem>>
      %dma_wait3A_127 = arith.constant 0 : i32
      %dma_wait3A_128 = arith.constant 0 : i32
      %dma_wait3A_129 = tpu.memref_slice %arg23[%dma_wait3A_127, %dma_wait3A_128] : memref<10000x128xf32, #tpu.memory_space<vmem_shared>> -> memref<10000x128xf32, #tpu.memory_space<vmem_shared>>
      tpu.wait_indirect_dma semaphore(%run_scoped3A : memref<!tpu.dma_semaphore, #tpu.memory_space<semaphore_mem>>) src(%dma_wait3A_126 : memref<16x128xf32, #tpu.memory_space<vmem>>) dst(%dma_wait3A_129 : memref<10000x128xf32, #tpu.memory_space<vmem_shared>>)
      tpu.yield
    }) : () -> ()
    %barrier3A_112 = arith.constant 0 : index
    tpu.barrier barrier_id(%barrier3A_112)
    "tpu.region"() ({
      %run_scoped3A = tpu.sem_alloc : memref<!tpu.dma_semaphore, #tpu.memory_space<semaphore_mem>>
      %dma_start3A_118 = arith.constant 0 : i32
      %dma_start3A_119 = tpu.memref_slice %arg5[%arg0, %mul3A_54, %dma_start3A_118] : memref<2x10000x128xf32, #tpu.memory_space<hbm>> -> memref<1x624x128xf32, #tpu.memory_space<hbm>>
      %dma_start3A_120 = tpu.memref_squeeze %dma_start3A_119 : memref<1x624x128xf32, #tpu.memory_space<hbm>> -> memref<624x128xf32, #tpu.memory_space<hbm>>
      %dma_start3A_121 = arith.constant 0 : i32
      %dma_start3A_122 = tpu.memref_slice %arg23[%mul3A_54, %dma_start3A_121] : memref<10000x128xf32, #tpu.memory_space<vmem_shared>> -> memref<624x128xf32, #tpu.memory_space<vmem_shared>>
      tpu.enqueue_dma source(%dma_start3A_122 : memref<624x128xf32, #tpu.memory_space<vmem_shared>>) target(%dma_start3A_120 : memref<624x128xf32, #tpu.memory_space<hbm>>) target_semaphore(%run_scoped3A : memref<!tpu.dma_semaphore, #tpu.memory_space<semaphore_mem>>)
      %dma_wait3A_123 = arith.constant 0 : i32
      %dma_wait3A_124 = tpu.memref_slice %arg5[%arg0, %mul3A_54, %dma_wait3A_123] : memref<2x10000x128xf32, #tpu.memory_space<hbm>> -> memref<1x624x128xf32, #tpu.memory_space<hbm>>
      %dma_wait3A_125 = tpu.memref_squeeze %dma_wait3A_124 : memref<1x624x128xf32, #tpu.memory_space<hbm>> -> memref<624x128xf32, #tpu.memory_space<hbm>>
      %dma_wait3A_126 = arith.constant 0 : i32
      %dma_wait3A_127 = tpu.memref_slice %arg23[%mul3A_54, %dma_wait3A_126] : memref<10000x128xf32, #tpu.memory_space<vmem_shared>> -> memref<624x128xf32, #tpu.memory_space<vmem_shared>>
      tpu.wait_dma2 semaphore(%run_scoped3A : memref<!tpu.dma_semaphore, #tpu.memory_space<semaphore_mem>>) src(%dma_wait3A_127 : memref<624x128xf32, #tpu.memory_space<vmem_shared>>) dst(%dma_wait3A_125 : memref<624x128xf32, #tpu.memory_space<hbm>>)
      tpu.yield
    }) : () -> ()
    %eq3A_113 = arith.constant 15 : i32
    %eq3A_114 = arith.cmpi eq, %arg1, %eq3A_113 : i32
    %convert_element_type3A_115 = arith.extui %eq3A_114 : i1 to i32
    %cond3A_116 = arith.constant 0 : i32
    %cond3A_117 = arith.cmpi ne, %convert_element_type3A_115, %cond3A_116 : i32
    scf.if %cond3A_117 {
      "tpu.region"() ({
        %run_scoped3A = tpu.sem_alloc : memref<!tpu.dma_semaphore, #tpu.memory_space<semaphore_mem>>
        %dma_start3A_118 = arith.constant 9984 : i32
        %dma_start3A_119 = arith.constant 0 : i32
        %dma_start3A_120 = tpu.memref_slice %arg5[%arg0, %dma_start3A_118, %dma_start3A_119] : memref<2x10000x128xf32, #tpu.memory_space<hbm>> -> memref<1x16x128xf32, #tpu.memory_space<hbm>>
        %dma_start3A_121 = tpu.memref_squeeze %dma_start3A_120 : memref<1x16x128xf32, #tpu.memory_space<hbm>> -> memref<16x128xf32, #tpu.memory_space<hbm>>
        %dma_start3A_122 = arith.constant 9984 : i32
        %dma_start3A_123 = arith.constant 0 : i32
        %dma_start3A_124 = tpu.memref_slice %arg23[%dma_start3A_122, %dma_start3A_123] : memref<10000x128xf32, #tpu.memory_space<vmem_shared>> -> memref<16x128xf32, #tpu.memory_space<vmem_shared>>
        tpu.enqueue_dma source(%dma_start3A_124 : memref<16x128xf32, #tpu.memory_space<vmem_shared>>) target(%dma_start3A_121 : memref<16x128xf32, #tpu.memory_space<hbm>>) target_semaphore(%run_scoped3A : memref<!tpu.dma_semaphore, #tpu.memory_space<semaphore_mem>>)
        %dma_wait3A_125 = arith.constant 9984 : i32
        %dma_wait3A_126 = arith.constant 0 : i32
        %dma_wait3A_127 = tpu.memref_slice %arg5[%arg0, %dma_wait3A_125, %dma_wait3A_126] : memref<2x10000x128xf32, #tpu.memory_space<hbm>> -> memref<1x16x128xf32, #tpu.memory_space<hbm>>
        %dma_wait3A_128 = tpu.memref_squeeze %dma_wait3A_127 : memref<1x16x128xf32, #tpu.memory_space<hbm>> -> memref<16x128xf32, #tpu.memory_space<hbm>>
        %dma_wait3A_129 = arith.constant 9984 : i32
        %dma_wait3A_130 = arith.constant 0 : i32
        %dma_wait3A_131 = tpu.memref_slice %arg23[%dma_wait3A_129, %dma_wait3A_130] : memref<10000x128xf32, #tpu.memory_space<vmem_shared>> -> memref<16x128xf32, #tpu.memory_space<vmem_shared>>
        tpu.wait_dma2 semaphore(%run_scoped3A : memref<!tpu.dma_semaphore, #tpu.memory_space<semaphore_mem>>) src(%dma_wait3A_131 : memref<16x128xf32, #tpu.memory_space<vmem_shared>>) dst(%dma_wait3A_128 : memref<16x128xf32, #tpu.memory_space<hbm>>)
        tpu.yield
      }) : () -> ()
    } else {
    }
    return
  }
}

module attributes {stable_mosaic.version = 14 : i64} {
  func.func @_tc1_body(%arg0: memref<10000x128xf32, #tpu.memory_space<vmem>>, %arg1: memref<10000x128xf32, #tpu.memory_space<vmem>>, %arg2: memref<128x128xf32, #tpu.memory_space<vmem>>, %arg3: memref<1x128xf32, #tpu.memory_space<vmem>>, %arg4: memref<128x128xf32, #tpu.memory_space<vmem>>, %arg5: memref<128x128xf32, #tpu.memory_space<vmem>>, %arg6: memref<1x128xf32, #tpu.memory_space<vmem>>, %arg7: memref<1x128xf32, #tpu.memory_space<vmem>>, %arg8: memref<1x128xf32, #tpu.memory_space<vmem>>, %arg9: memref<10000x128xf32, #tpu.memory_space<vmem>>) attributes {dimension_semantics = [], scalar_prefetch = 0 : i64, scratch_operands = 0 : i64, tpu.core_type = #tpu.core_type<tc>} {
    %get3A = arith.constant 0 : index
    %get3A_0 = arith.constant 0 : index
    %get3A_1 = vector.load %arg0[%get3A, %get3A_0] : memref<10000x128xf32, #tpu.memory_space<vmem>>, vector<10000x128xf32>
    %get3A_2 = arith.constant 0 : index
    %get3A_3 = arith.constant 0 : index
    %get3A_4 = vector.load %arg1[%get3A_2, %get3A_3] : memref<10000x128xf32, #tpu.memory_space<vmem>>, vector<10000x128xf32>
    %get3A_5 = arith.constant 0 : index
    %get3A_6 = arith.constant 0 : index
    %get3A_7 = vector.load %arg2[%get3A_5, %get3A_6] : memref<128x128xf32, #tpu.memory_space<vmem>>, vector<128x128xf32>
    %get3A_8 = arith.constant 0 : index
    %get3A_9 = arith.constant 0 : index
    %get3A_10 = vector.load %arg3[%get3A_8, %get3A_9] : memref<1x128xf32, #tpu.memory_space<vmem>>, vector<1x128xf32>
    %get3A_11 = arith.constant 0 : index
    %get3A_12 = arith.constant 0 : index
    %get3A_13 = vector.load %arg4[%get3A_11, %get3A_12] : memref<128x128xf32, #tpu.memory_space<vmem>>, vector<128x128xf32>
    %get3A_14 = arith.constant 0 : index
    %get3A_15 = arith.constant 0 : index
    %get3A_16 = vector.load %arg5[%get3A_14, %get3A_15] : memref<128x128xf32, #tpu.memory_space<vmem>>, vector<128x128xf32>
    %get3A_17 = arith.constant 0 : index
    %get3A_18 = arith.constant 0 : index
    %get3A_19 = vector.load %arg6[%get3A_17, %get3A_18] : memref<1x128xf32, #tpu.memory_space<vmem>>, vector<1x128xf32>
    %get3A_20 = arith.constant 0 : index
    %get3A_21 = arith.constant 0 : index
    %get3A_22 = vector.load %arg7[%get3A_20, %get3A_21] : memref<1x128xf32, #tpu.memory_space<vmem>>, vector<1x128xf32>
    %get3A_23 = arith.constant 0 : index
    %get3A_24 = arith.constant 0 : index
    %get3A_25 = vector.load %arg8[%get3A_23, %get3A_24] : memref<1x128xf32, #tpu.memory_space<vmem>>, vector<1x128xf32>
    %dot_general3A = arith.constant dense<0.000000e+00> : vector<10000x128xf32>
    %dot_general3A_26 = tpu.matmul %get3A_1, %get3A_7, %dot_general3A {dimension_numbers = #tpu.dot_dimension_numbers<[1], [1], [0], [0], [0, 0, 1, 0], [], []>, transpose_lhs_hint = false} : vector<10000x128xf32>, vector<128x128xf32>, vector<10000x128xf32> -> vector<10000x128xf32>
    %add3A = vector.broadcast %get3A_10 : vector<1x128xf32> to vector<10000x128xf32>
    %add3A_27 = arith.addf %dot_general3A_26, %add3A : vector<10000x128xf32>
    %add3A_28 = vector.broadcast %get3A_25 : vector<1x128xf32> to vector<10000x128xf32>
    %add3A_29 = arith.addf %add3A_27, %add3A_28 : vector<10000x128xf32>
    %dot_general3A_30 = arith.constant dense<0.000000e+00> : vector<10000x128xf32>
    %dot_general3A_31 = tpu.matmul %get3A_4, %get3A_13, %dot_general3A_30 {dimension_numbers = #tpu.dot_dimension_numbers<[1], [1], [0], [0], [0, 0, 1, 0], [], []>, transpose_lhs_hint = false} : vector<10000x128xf32>, vector<128x128xf32>, vector<10000x128xf32> -> vector<10000x128xf32>
    %add3A_32 = vector.broadcast %get3A_19 : vector<1x128xf32> to vector<10000x128xf32>
    %add3A_33 = arith.addf %dot_general3A_31, %add3A_32 : vector<10000x128xf32>
    %dot_general3A_34 = arith.constant dense<0.000000e+00> : vector<10000x128xf32>
    %dot_general3A_35 = tpu.matmul %get3A_4, %get3A_16, %dot_general3A_34 {dimension_numbers = #tpu.dot_dimension_numbers<[1], [1], [0], [0], [0, 0, 1, 0], [], []>, transpose_lhs_hint = false} : vector<10000x128xf32>, vector<128x128xf32>, vector<10000x128xf32> -> vector<10000x128xf32>
    %add3A_36 = vector.broadcast %get3A_22 : vector<1x128xf32> to vector<10000x128xf32>
    %add3A_37 = arith.addf %dot_general3A_35, %add3A_36 : vector<10000x128xf32>
    %reduce_sum3A = arith.constant dense<0.000000e+00> : vector<128xf32>
    %reduce_sum3A_38 = vector.multi_reduction <add>, %add3A_29, %reduce_sum3A [0] : vector<10000x128xf32> to vector<128xf32>
    %broadcast_in_dim3A = vector.shape_cast %reduce_sum3A_38 : vector<128xf32> to vector<1x128xf32>
    %div3A = arith.constant 1.000000e+04 : f32
    %div3A_39 = vector.broadcast %div3A : f32 to vector<1x128xf32>
    %div3A_40 = arith.divf %broadcast_in_dim3A, %div3A_39 : vector<1x128xf32>
    %sub3A = vector.broadcast %div3A_40 : vector<1x128xf32> to vector<10000x128xf32>
    %sub3A_41 = arith.subf %add3A_29, %sub3A : vector<10000x128xf32>
    %sub3A_42 = vector.broadcast %div3A_40 : vector<1x128xf32> to vector<10000x128xf32>
    %sub3A_43 = arith.subf %add3A_29, %sub3A_42 : vector<10000x128xf32>
    %mul3A = arith.mulf %sub3A_41, %sub3A_43 : vector<10000x128xf32>
    %reduce_sum3A_44 = arith.constant dense<0.000000e+00> : vector<128xf32>
    %reduce_sum3A_45 = vector.multi_reduction <add>, %mul3A, %reduce_sum3A_44 [0] : vector<10000x128xf32> to vector<128xf32>
    %broadcast_in_dim3A_46 = vector.shape_cast %reduce_sum3A_45 : vector<128xf32> to vector<1x128xf32>
    %div3A_47 = arith.constant 1.000000e+04 : f32
    %div3A_48 = vector.broadcast %div3A_47 : f32 to vector<1x128xf32>
    %div3A_49 = arith.divf %broadcast_in_dim3A_46, %div3A_48 : vector<1x128xf32>
    %sub3A_50 = vector.broadcast %div3A_40 : vector<1x128xf32> to vector<10000x128xf32>
    %sub3A_51 = arith.subf %add3A_29, %sub3A_50 : vector<10000x128xf32>
    %add3A_52 = arith.constant 9.99999974E-6 : f32
    %add3A_53 = vector.broadcast %add3A_52 : f32 to vector<1x128xf32>
    %add3A_54 = arith.addf %div3A_49, %add3A_53 : vector<1x128xf32>
    %rsqrt3A = math.rsqrt %add3A_54 : vector<1x128xf32>
    %mul3A_55 = vector.broadcast %rsqrt3A : vector<1x128xf32> to vector<10000x128xf32>
    %mul3A_56 = arith.mulf %sub3A_51, %mul3A_55 : vector<10000x128xf32>
    %mul3A_57 = arith.mulf %add3A_33, %mul3A_56 : vector<10000x128xf32>
    %add3A_58 = arith.addf %mul3A_57, %add3A_37 : vector<10000x128xf32>
    %ge3A = arith.constant 0.000000e+00 : f32
    %ge3A_59 = vector.broadcast %ge3A : f32 to vector<10000x128xf32>
    %ge3A_60 = arith.cmpf oge, %add3A_58, %ge3A_59 : vector<10000x128xf32>
    %mul3A_61 = arith.constant 0.00999999977 : f32
    %mul3A_62 = vector.broadcast %mul3A_61 : f32 to vector<10000x128xf32>
    %mul3A_63 = arith.mulf %mul3A_62, %add3A_58 : vector<10000x128xf32>
    %select_n3A = arith.select %ge3A_60, %add3A_58, %mul3A_63 : vector<10000x128xi1>, vector<10000x128xf32>
    %swap3A = arith.constant 0 : index
    %swap3A_64 = arith.constant 0 : index
    %swap3A_65 = vector.load %arg9[%swap3A, %swap3A_64] : memref<10000x128xf32, #tpu.memory_space<vmem>>, vector<10000x128xf32>
    tpu.vector_store %arg9[%swap3A, %swap3A_64], %select_n3A {strides = array<i32>} : memref<10000x128xf32, #tpu.memory_space<vmem>>, vector<10000x128xf32>,
    return
  }
}

module attributes {stable_mosaic.version = 14 : i64} {
  func.func @_tc2_body(%arg0: memref<2x10000x128xf32, #tpu.memory_space<vmem>>, %arg1: memref<10000x128xf32, #tpu.memory_space<vmem>>, %arg2: memref<10000x128xf32, #tpu.memory_space<vmem>>, %arg3: memref<1x128xf32, #tpu.memory_space<vmem>>, %arg4: memref<128x128xf32, #tpu.memory_space<vmem>>, %arg5: memref<1x128xf32, #tpu.memory_space<vmem>>, %arg6: memref<128x128xf32, #tpu.memory_space<vmem>>, %arg7: memref<1x128xf32, #tpu.memory_space<vmem>>, %arg8: memref<128x128xf32, #tpu.memory_space<vmem>>, %arg9: memref<1x128xf32, #tpu.memory_space<vmem>>, %arg10: memref<128x128xf32, #tpu.memory_space<vmem>>, %arg11: memref<128x128xf32, #tpu.memory_space<vmem>>, %arg12: memref<1x128xf32, #tpu.memory_space<vmem>>, %arg13: memref<1x128xf32, #tpu.memory_space<vmem>>, %arg14: memref<1x128xf32, #tpu.memory_space<vmem>>, %arg15: memref<128x128xf32, #tpu.memory_space<vmem>>, %arg16: memref<1x128xf32, #tpu.memory_space<vmem>>, %arg17: memref<128x128xf32, #tpu.memory_space<vmem>>, %arg18: memref<128x128xf32, #tpu.memory_space<vmem>>, %arg19: memref<1x128xf32, #tpu.memory_space<vmem>>, %arg20: memref<1x128xf32, #tpu.memory_space<vmem>>, %arg21: memref<1x128xf32, #tpu.memory_space<vmem>>, %arg22: memref<10000x128xf32, #tpu.memory_space<vmem>>) attributes {dimension_semantics = [], scalar_prefetch = 0 : i64, scratch_operands = 0 : i64, tpu.core_type = #tpu.core_type<tc>} {
    %get3A = arith.constant 0 : index
    %get3A_0 = arith.constant 0 : index
    %get3A_1 = vector.load %arg2[%get3A, %get3A_0] : memref<10000x128xf32, #tpu.memory_space<vmem>>, vector<10000x128xf32>
    %get3A_2 = arith.constant 0 : index
    %get3A_3 = arith.constant 0 : index
    %get3A_4 = vector.load %arg1[%get3A_2, %get3A_3] : memref<10000x128xf32, #tpu.memory_space<vmem>>, vector<10000x128xf32>
    %get3A_5 = arith.constant 0 : index
    %get3A_6 = arith.constant 0 : index
    %get3A_7 = arith.constant 0 : index
    %get3A_8 = vector.load %arg0[%get3A_5, %get3A_6, %get3A_7] : memref<2x10000x128xf32, #tpu.memory_space<vmem>>, vector<1x10000x128xf32>
    %get3A_9 = vector.shape_cast %get3A_8 : vector<1x10000x128xf32> to vector<10000x128xf32>
    %get3A_10 = arith.constant 1 : index
    %get3A_11 = arith.constant 0 : index
    %get3A_12 = arith.constant 0 : index
    %get3A_13 = vector.load %arg0[%get3A_10, %get3A_11, %get3A_12] : memref<2x10000x128xf32, #tpu.memory_space<vmem>>, vector<1x10000x128xf32>
    %get3A_14 = vector.shape_cast %get3A_13 : vector<1x10000x128xf32> to vector<10000x128xf32>
    %add3A = arith.addf %get3A_9, %get3A_14 : vector<10000x128xf32>
    %get3A_15 = arith.constant 0 : index
    %get3A_16 = arith.constant 0 : index
    %get3A_17 = vector.load %arg3[%get3A_15, %get3A_16] : memref<1x128xf32, #tpu.memory_space<vmem>>, vector<1x128xf32>
    %add3A_18 = vector.broadcast %get3A_17 : vector<1x128xf32> to vector<10000x128xf32>
    %add3A_19 = arith.addf %add3A, %add3A_18 : vector<10000x128xf32>
    %get3A_20 = arith.constant 0 : index
    %get3A_21 = arith.constant 0 : index
    %get3A_22 = vector.load %arg4[%get3A_20, %get3A_21] : memref<128x128xf32, #tpu.memory_space<vmem>>, vector<128x128xf32>
    %dot_general3A = arith.constant dense<0.000000e+00> : vector<10000x128xf32>
    %dot_general3A_23 = tpu.matmul %add3A_19, %get3A_22, %dot_general3A {dimension_numbers = #tpu.dot_dimension_numbers<[1], [1], [0], [0], [0, 0, 1, 0], [], []>, transpose_lhs_hint = false} : vector<10000x128xf32>, vector<128x128xf32>, vector<10000x128xf32> -> vector<10000x128xf32>
    %add3A_24 = arith.addf %add3A_19, %dot_general3A_23 : vector<10000x128xf32>
    %get3A_25 = arith.constant 0 : index
    %get3A_26 = arith.constant 0 : index
    %get3A_27 = vector.load %arg5[%get3A_25, %get3A_26] : memref<1x128xf32, #tpu.memory_space<vmem>>, vector<1x128xf32>
    %add3A_28 = vector.broadcast %get3A_27 : vector<1x128xf32> to vector<10000x128xf32>
    %add3A_29 = arith.addf %add3A_24, %add3A_28 : vector<10000x128xf32>
    %add3A_30 = arith.addf %add3A_29, %get3A_4 : vector<10000x128xf32>
    %get3A_31 = arith.constant 0 : index
    %get3A_32 = arith.constant 0 : index
    %get3A_33 = vector.load %arg6[%get3A_31, %get3A_32] : memref<128x128xf32, #tpu.memory_space<vmem>>, vector<128x128xf32>
    %dot_general3A_34 = arith.constant dense<0.000000e+00> : vector<10000x128xf32>
    %dot_general3A_35 = tpu.matmul %get3A_4, %get3A_33, %dot_general3A_34 {dimension_numbers = #tpu.dot_dimension_numbers<[1], [1], [0], [0], [0, 0, 1, 0], [], []>, transpose_lhs_hint = false} : vector<10000x128xf32>, vector<128x128xf32>, vector<10000x128xf32> -> vector<10000x128xf32>
    %add3A_36 = arith.addf %add3A_30, %dot_general3A_35 : vector<10000x128xf32>
    %get3A_37 = arith.constant 0 : index
    %get3A_38 = arith.constant 0 : index
    %get3A_39 = vector.load %arg7[%get3A_37, %get3A_38] : memref<1x128xf32, #tpu.memory_space<vmem>>, vector<1x128xf32>
    %add3A_40 = vector.broadcast %get3A_39 : vector<1x128xf32> to vector<10000x128xf32>
    %add3A_41 = arith.addf %add3A_36, %add3A_40 : vector<10000x128xf32>
    %max3A = arith.constant 0.000000e+00 : f32
    %max3A_42 = vector.broadcast %max3A : f32 to vector<10000x128xf32>
    %max3A_43 = arith.maximumf %add3A_41, %max3A_42 : vector<10000x128xf32>
    %get3A_44 = arith.constant 0 : index
    %get3A_45 = arith.constant 0 : index
    %get3A_46 = vector.load %arg8[%get3A_44, %get3A_45] : memref<128x128xf32, #tpu.memory_space<vmem>>, vector<128x128xf32>
    %get3A_47 = arith.constant 0 : index
    %get3A_48 = arith.constant 0 : index
    %get3A_49 = vector.load %arg9[%get3A_47, %get3A_48] : memref<1x128xf32, #tpu.memory_space<vmem>>, vector<1x128xf32>
    %get3A_50 = arith.constant 0 : index
    %get3A_51 = arith.constant 0 : index
    %get3A_52 = vector.load %arg10[%get3A_50, %get3A_51] : memref<128x128xf32, #tpu.memory_space<vmem>>, vector<128x128xf32>
    %get3A_53 = arith.constant 0 : index
    %get3A_54 = arith.constant 0 : index
    %get3A_55 = vector.load %arg11[%get3A_53, %get3A_54] : memref<128x128xf32, #tpu.memory_space<vmem>>, vector<128x128xf32>
    %get3A_56 = arith.constant 0 : index
    %get3A_57 = arith.constant 0 : index
    %get3A_58 = vector.load %arg12[%get3A_56, %get3A_57] : memref<1x128xf32, #tpu.memory_space<vmem>>, vector<1x128xf32>
    %get3A_59 = arith.constant 0 : index
    %get3A_60 = arith.constant 0 : index
    %get3A_61 = vector.load %arg13[%get3A_59, %get3A_60] : memref<1x128xf32, #tpu.memory_space<vmem>>, vector<1x128xf32>
    %get3A_62 = arith.constant 0 : index
    %get3A_63 = arith.constant 0 : index
    %get3A_64 = vector.load %arg14[%get3A_62, %get3A_63] : memref<1x128xf32, #tpu.memory_space<vmem>>, vector<1x128xf32>
    %dot_general3A_65 = arith.constant dense<0.000000e+00> : vector<10000x128xf32>
    %dot_general3A_66 = tpu.matmul %max3A_43, %get3A_46, %dot_general3A_65 {dimension_numbers = #tpu.dot_dimension_numbers<[1], [1], [0], [0], [0, 0, 1, 0], [], []>, transpose_lhs_hint = false} : vector<10000x128xf32>, vector<128x128xf32>, vector<10000x128xf32> -> vector<10000x128xf32>
    %add3A_67 = vector.broadcast %get3A_49 : vector<1x128xf32> to vector<10000x128xf32>
    %add3A_68 = arith.addf %dot_general3A_66, %add3A_67 : vector<10000x128xf32>
    %add3A_69 = vector.broadcast %get3A_64 : vector<1x128xf32> to vector<10000x128xf32>
    %add3A_70 = arith.addf %add3A_68, %add3A_69 : vector<10000x128xf32>
    %dot_general3A_71 = arith.constant dense<0.000000e+00> : vector<10000x128xf32>
    %dot_general3A_72 = tpu.matmul %get3A_1, %get3A_52, %dot_general3A_71 {dimension_numbers = #tpu.dot_dimension_numbers<[1], [1], [0], [0], [0, 0, 1, 0], [], []>, transpose_lhs_hint = false} : vector<10000x128xf32>, vector<128x128xf32>, vector<10000x128xf32> -> vector<10000x128xf32>
    %add3A_73 = vector.broadcast %get3A_58 : vector<1x128xf32> to vector<10000x128xf32>
    %add3A_74 = arith.addf %dot_general3A_72, %add3A_73 : vector<10000x128xf32>
    %dot_general3A_75 = arith.constant dense<0.000000e+00> : vector<10000x128xf32>
    %dot_general3A_76 = tpu.matmul %get3A_1, %get3A_55, %dot_general3A_75 {dimension_numbers = #tpu.dot_dimension_numbers<[1], [1], [0], [0], [0, 0, 1, 0], [], []>, transpose_lhs_hint = false} : vector<10000x128xf32>, vector<128x128xf32>, vector<10000x128xf32> -> vector<10000x128xf32>
    %add3A_77 = vector.broadcast %get3A_61 : vector<1x128xf32> to vector<10000x128xf32>
    %add3A_78 = arith.addf %dot_general3A_76, %add3A_77 : vector<10000x128xf32>
    %reduce_sum3A = arith.constant dense<0.000000e+00> : vector<128xf32>
    %reduce_sum3A_79 = vector.multi_reduction <add>, %add3A_70, %reduce_sum3A [0] : vector<10000x128xf32> to vector<128xf32>
    %broadcast_in_dim3A = vector.shape_cast %reduce_sum3A_79 : vector<128xf32> to vector<1x128xf32>
    %div3A = arith.constant 1.000000e+04 : f32
    %div3A_80 = vector.broadcast %div3A : f32 to vector<1x128xf32>
    %div3A_81 = arith.divf %broadcast_in_dim3A, %div3A_80 : vector<1x128xf32>
    %sub3A = vector.broadcast %div3A_81 : vector<1x128xf32> to vector<10000x128xf32>
    %sub3A_82 = arith.subf %add3A_70, %sub3A : vector<10000x128xf32>
    %sub3A_83 = vector.broadcast %div3A_81 : vector<1x128xf32> to vector<10000x128xf32>
    %sub3A_84 = arith.subf %add3A_70, %sub3A_83 : vector<10000x128xf32>
    %mul3A = arith.mulf %sub3A_82, %sub3A_84 : vector<10000x128xf32>
    %reduce_sum3A_85 = arith.constant dense<0.000000e+00> : vector<128xf32>
    %reduce_sum3A_86 = vector.multi_reduction <add>, %mul3A, %reduce_sum3A_85 [0] : vector<10000x128xf32> to vector<128xf32>
    %broadcast_in_dim3A_87 = vector.shape_cast %reduce_sum3A_86 : vector<128xf32> to vector<1x128xf32>
    %div3A_88 = arith.constant 1.000000e+04 : f32
    %div3A_89 = vector.broadcast %div3A_88 : f32 to vector<1x128xf32>
    %div3A_90 = arith.divf %broadcast_in_dim3A_87, %div3A_89 : vector<1x128xf32>
    %sub3A_91 = vector.broadcast %div3A_81 : vector<1x128xf32> to vector<10000x128xf32>
    %sub3A_92 = arith.subf %add3A_70, %sub3A_91 : vector<10000x128xf32>
    %add3A_93 = arith.constant 9.99999974E-6 : f32
    %add3A_94 = vector.broadcast %add3A_93 : f32 to vector<1x128xf32>
    %add3A_95 = arith.addf %div3A_90, %add3A_94 : vector<1x128xf32>
    %rsqrt3A = math.rsqrt %add3A_95 : vector<1x128xf32>
    %mul3A_96 = vector.broadcast %rsqrt3A : vector<1x128xf32> to vector<10000x128xf32>
    %mul3A_97 = arith.mulf %sub3A_92, %mul3A_96 : vector<10000x128xf32>
    %mul3A_98 = arith.mulf %add3A_74, %mul3A_97 : vector<10000x128xf32>
    %add3A_99 = arith.addf %mul3A_98, %add3A_78 : vector<10000x128xf32>
    %ge3A = arith.constant 0.000000e+00 : f32
    %ge3A_100 = vector.broadcast %ge3A : f32 to vector<10000x128xf32>
    %ge3A_101 = arith.cmpf oge, %add3A_99, %ge3A_100 : vector<10000x128xf32>
    %mul3A_102 = arith.constant 0.00999999977 : f32
    %mul3A_103 = vector.broadcast %mul3A_102 : f32 to vector<10000x128xf32>
    %mul3A_104 = arith.mulf %mul3A_103, %add3A_99 : vector<10000x128xf32>
    %select_n3A = arith.select %ge3A_101, %add3A_99, %mul3A_104 : vector<10000x128xi1>, vector<10000x128xf32>
    %get3A_105 = arith.constant 0 : index
    %get3A_106 = arith.constant 0 : index
    %get3A_107 = vector.load %arg15[%get3A_105, %get3A_106] : memref<128x128xf32, #tpu.memory_space<vmem>>, vector<128x128xf32>
    %get3A_108 = arith.constant 0 : index
    %get3A_109 = arith.constant 0 : index
    %get3A_110 = vector.load %arg16[%get3A_108, %get3A_109] : memref<1x128xf32, #tpu.memory_space<vmem>>, vector<1x128xf32>
    %get3A_111 = arith.constant 0 : index
    %get3A_112 = arith.constant 0 : index
    %get3A_113 = vector.load %arg17[%get3A_111, %get3A_112] : memref<128x128xf32, #tpu.memory_space<vmem>>, vector<128x128xf32>
    %get3A_114 = arith.constant 0 : index
    %get3A_115 = arith.constant 0 : index
    %get3A_116 = vector.load %arg18[%get3A_114, %get3A_115] : memref<128x128xf32, #tpu.memory_space<vmem>>, vector<128x128xf32>
    %get3A_117 = arith.constant 0 : index
    %get3A_118 = arith.constant 0 : index
    %get3A_119 = vector.load %arg19[%get3A_117, %get3A_118] : memref<1x128xf32, #tpu.memory_space<vmem>>, vector<1x128xf32>
    %get3A_120 = arith.constant 0 : index
    %get3A_121 = arith.constant 0 : index
    %get3A_122 = vector.load %arg20[%get3A_120, %get3A_121] : memref<1x128xf32, #tpu.memory_space<vmem>>, vector<1x128xf32>
    %get3A_123 = arith.constant 0 : index
    %get3A_124 = arith.constant 0 : index
    %get3A_125 = vector.load %arg21[%get3A_123, %get3A_124] : memref<1x128xf32, #tpu.memory_space<vmem>>, vector<1x128xf32>
    %dot_general3A_126 = arith.constant dense<0.000000e+00> : vector<10000x128xf32>
    %dot_general3A_127 = tpu.matmul %select_n3A, %get3A_107, %dot_general3A_126 {dimension_numbers = #tpu.dot_dimension_numbers<[1], [1], [0], [0], [0, 0, 1, 0], [], []>, transpose_lhs_hint = false} : vector<10000x128xf32>, vector<128x128xf32>, vector<10000x128xf32> -> vector<10000x128xf32>
    %add3A_128 = vector.broadcast %get3A_110 : vector<1x128xf32> to vector<10000x128xf32>
    %add3A_129 = arith.addf %dot_general3A_127, %add3A_128 : vector<10000x128xf32>
    %add3A_130 = vector.broadcast %get3A_125 : vector<1x128xf32> to vector<10000x128xf32>
    %add3A_131 = arith.addf %add3A_129, %add3A_130 : vector<10000x128xf32>
    %dot_general3A_132 = arith.constant dense<0.000000e+00> : vector<10000x128xf32>
    %dot_general3A_133 = tpu.matmul %get3A_1, %get3A_113, %dot_general3A_132 {dimension_numbers = #tpu.dot_dimension_numbers<[1], [1], [0], [0], [0, 0, 1, 0], [], []>, transpose_lhs_hint = false} : vector<10000x128xf32>, vector<128x128xf32>, vector<10000x128xf32> -> vector<10000x128xf32>
    %add3A_134 = vector.broadcast %get3A_119 : vector<1x128xf32> to vector<10000x128xf32>
    %add3A_135 = arith.addf %dot_general3A_133, %add3A_134 : vector<10000x128xf32>
    %dot_general3A_136 = arith.constant dense<0.000000e+00> : vector<10000x128xf32>
    %dot_general3A_137 = tpu.matmul %get3A_1, %get3A_116, %dot_general3A_136 {dimension_numbers = #tpu.dot_dimension_numbers<[1], [1], [0], [0], [0, 0, 1, 0], [], []>, transpose_lhs_hint = false} : vector<10000x128xf32>, vector<128x128xf32>, vector<10000x128xf32> -> vector<10000x128xf32>
    %add3A_138 = vector.broadcast %get3A_122 : vector<1x128xf32> to vector<10000x128xf32>
    %add3A_139 = arith.addf %dot_general3A_137, %add3A_138 : vector<10000x128xf32>
    %reduce_sum3A_140 = arith.constant dense<0.000000e+00> : vector<128xf32>
    %reduce_sum3A_141 = vector.multi_reduction <add>, %add3A_131, %reduce_sum3A_140 [0] : vector<10000x128xf32> to vector<128xf32>
    %broadcast_in_dim3A_142 = vector.shape_cast %reduce_sum3A_141 : vector<128xf32> to vector<1x128xf32>
    %div3A_143 = arith.constant 1.000000e+04 : f32
    %div3A_144 = vector.broadcast %div3A_143 : f32 to vector<1x128xf32>
    %div3A_145 = arith.divf %broadcast_in_dim3A_142, %div3A_144 : vector<1x128xf32>
    %sub3A_146 = vector.broadcast %div3A_145 : vector<1x128xf32> to vector<10000x128xf32>
    %sub3A_147 = arith.subf %add3A_131, %sub3A_146 : vector<10000x128xf32>
    %sub3A_148 = vector.broadcast %div3A_145 : vector<1x128xf32> to vector<10000x128xf32>
    %sub3A_149 = arith.subf %add3A_131, %sub3A_148 : vector<10000x128xf32>
    %mul3A_150 = arith.mulf %sub3A_147, %sub3A_149 : vector<10000x128xf32>
    %reduce_sum3A_151 = arith.constant dense<0.000000e+00> : vector<128xf32>
    %reduce_sum3A_152 = vector.multi_reduction <add>, %mul3A_150, %reduce_sum3A_151 [0] : vector<10000x128xf32> to vector<128xf32>
    %broadcast_in_dim3A_153 = vector.shape_cast %reduce_sum3A_152 : vector<128xf32> to vector<1x128xf32>
    %div3A_154 = arith.constant 1.000000e+04 : f32
    %div3A_155 = vector.broadcast %div3A_154 : f32 to vector<1x128xf32>
    %div3A_156 = arith.divf %broadcast_in_dim3A_153, %div3A_155 : vector<1x128xf32>
    %sub3A_157 = vector.broadcast %div3A_145 : vector<1x128xf32> to vector<10000x128xf32>
    %sub3A_158 = arith.subf %add3A_131, %sub3A_157 : vector<10000x128xf32>
    %add3A_159 = arith.constant 9.99999974E-6 : f32
    %add3A_160 = vector.broadcast %add3A_159 : f32 to vector<1x128xf32>
    %add3A_161 = arith.addf %div3A_156, %add3A_160 : vector<1x128xf32>
    %rsqrt3A_162 = math.rsqrt %add3A_161 : vector<1x128xf32>
    %mul3A_163 = vector.broadcast %rsqrt3A_162 : vector<1x128xf32> to vector<10000x128xf32>
    %mul3A_164 = arith.mulf %sub3A_158, %mul3A_163 : vector<10000x128xf32>
    %mul3A_165 = arith.mulf %add3A_135, %mul3A_164 : vector<10000x128xf32>
    %add3A_166 = arith.addf %mul3A_165, %add3A_139 : vector<10000x128xf32>
    %ge3A_167 = arith.constant 0.000000e+00 : f32
    %ge3A_168 = vector.broadcast %ge3A_167 : f32 to vector<10000x128xf32>
    %ge3A_169 = arith.cmpf oge, %add3A_166, %ge3A_168 : vector<10000x128xf32>
    %mul3A_170 = arith.constant 0.00999999977 : f32
    %mul3A_171 = vector.broadcast %mul3A_170 : f32 to vector<10000x128xf32>
    %mul3A_172 = arith.mulf %mul3A_171, %add3A_166 : vector<10000x128xf32>
    %select_n3A_173 = arith.select %ge3A_169, %add3A_166, %mul3A_172 : vector<10000x128xi1>, vector<10000x128xf32>
    %swap3A = arith.constant 0 : index
    %swap3A_174 = arith.constant 0 : index
    %swap3A_175 = vector.load %arg22[%swap3A, %swap3A_174] : memref<10000x128xf32, #tpu.memory_space<vmem>>, vector<10000x128xf32>
    tpu.vector_store %arg22[%swap3A, %swap3A_174], %select_n3A_173 {strides = array<i32>} : memref<10000x128xf32, #tpu.memory_space<vmem>>, vector<10000x128xf32>,
    return
  }
}

</mosaic_0001>

<sc_bundles>
// kernel: kernel.5.cloned.1.call-start
scs
__scs_entry_jumppad:
0x0: {  	(pc) =	sbr.rel $0x88, $3  }
0x1: {  	(tag) =	ssettag $0x0;
	lr =	simm.s32 $0x1  }
0x2: {  	[smem:$0x3F86] =	sst lr;
	_ =	strace $0xD0000000  }
0x3: {  	_ = 	snop  }
0x4: {  	_ = 	snop  }
0x5: {  	_ = 	snop  }
0x6: {  	_ = 	snop  }
0x7: {  	_ = 	snop  }
__scs_overlays_trampoline_lowered:
0x8: {  	[smem:$0x3F95] =	sst s0  }
0x9: {  	[smem:$0x3F96] =	sst s1  }
0xa: {  	[smem:$0x3F97] =	sst s2  }
0xb: {  	[smem:$0x3F98] =	sst s3  }
0xc: {  	[smem:$0x3F99] =	sst s4  }
0xd: {  	[smem:$0x3F9A] =	sst s5  }
0xe: {  	[smem:$0x3F9B] =	sst s6  }
0xf: {  	[smem:$0x3F9C] =	sst s7  }
0x10: {  	[smem:$0x3F9D] =	sst s8  }
0x11: {  	[smem:$0x3F9E] =	sst s9;
	s0 =	simm.s32 @!p0 $0x0  }
0x12: {  	s1 =	sld [smem:$0x3F84];
	s0 =	simm.s32 @p0 $0x1  }
0x13: {  	[smem:$0x3F9F] =	sst s0;
	s0 =	simm.s32 @!p1 $0x0  }
0x14: {  	s2 =	sld [smem:$0x3F83];
	s0 =	simm.s32 @p1 $0x1  }
0x15: {  	[smem:$0x3FA0] =	sst s0;
	s0 =	simm.s32 @!p2 $0x0  }
0x16: {  	s3 =	sld [smem:$0x3FDB];
	s0 =	simm.s32 @p2 $0x1  }
0x17: {  	s4 =	simm.s32 $0x1BF5;
	[smem:$0x3FA2] =	sst s0  }
0x18: {  	s0 =	sld [smem:$0x3F85];
	_ =	swait.ge [sflag:s4], $0x0  }
0x19: {  	s7 =	sld [smem:$0x3F86]  }
0x1a: {  	s8 =	sadd.s32 $0xFFFFE003, lr  }
0x1b: {  	s9 =	sadd.s32 $0xFFFFFEF7, lr;
	s5 =	simm.s32 $0xFFFFFFFF;
	p2 =	slt.u32 s8, $0xFFFFF086  }
0x1c: {  	p1 =	slt.u32 s9, $0xF7A;
	s5 =	simm.s32 @!p2 $0x0  }
0x1d: {  	s5 =	simm.s32 @p1 $0x1;
	p0 =	seq.s32 s7, s2  }
0x1e: {  	s7 =	smul.u32 @!p0 $0xF7A, s2;
	p2 =	seq.s32 @!p0 s5, $0x0  }
0x1f: {  	s9 =	smul.u32 $0xF7A, s1;
	s8 =	simm.s32 @!p0 $0x1BF5;
	p2 =	por !p2, p0  }
0x20: {  	[sflag:s8] =	ssyncset.s32 @!p0 $0xFFFFF086;
	s6 =	sadd.s32 @!p0 s3, s7;
	s7 =	simm.s32 @!p0 $0x108  }
0x21: {  	s3 =	sadd.s32 s3, s9;
	s6 =	sadd.s32 @!p0 $0x88, s6;
	s7 =	simm.s32 @p2 $0x1082  }
0x22: {  	[simem:s7], [sflag:s8] =	dma.local @!p0 [hbm:s6], $0xF7A  }
0x23: {  	s9 =	sor.u32 $0xD0000000, s2;
	s6 =	simm.s32 $0x108;
	_ =	swait.ge @!p0 [sflag:s8], $0x0  }
0x24: {  	s3 =	sadd.s32 $0x88, s3;
	s6 =	simm.s32 @!p1 $0x1082;
	[sflag:s4] =	ssyncset.s32 $0xFFFFF086  }
0x25: {  	[simem:s6], [sflag:s4] =	dma.local [hbm:s3], $0xF7A  }
0x26: {  	[smem:$0x3F86] =	sst s1;
	(tag) =	ssettag s2;
	_ =	strace s9  }
0x27: {  	s1 =	sld [smem:$0x3F96]  }
0x28: {  	s2 =	sld [smem:$0x3F97]  }
0x29: {  	s4 =	sld [smem:$0x3F99]  }
0x2a: {  	p0 =	seq.s32 s5, $0x0;
	s5 =	sld [smem:$0x3F9A]  }
0x2b: {  	s6 =	sld [smem:$0x3F9B]  }
0x2c: {  	s7 =	sld [smem:$0x3F9C]  }
0x2d: {  	s3 =	simm.s32 $0x108;
	s8 =	sld [smem:$0x3F9D]  }
0x2e: {  	s3 =	simm.s32 @!p0 $0x1082;
	s9 =	sld [smem:$0x3F9E]  }
0x2f: {  	lr =	sadd.s32 s0, s3;
	s0 =	sld [smem:$0x3F95]  }
0x30: {  	s3 =	sld [smem:$0x3F98]  }
0x31: {  	[smem:$0x3FA1] =	sst s10  }
0x32: {  	s10 =	sld [smem:$0x3F9F];
	_ =	sdelay $0x3  }
0x33: {  	p0 =	seq.s32 s10, $0x1;
	s10 =	sld [smem:$0x3FA1];
	_ =	sdelay $0x3  }
0x34: {  	[smem:$0x3FA1] =	sst s10  }
0x35: {  	s10 =	sld [smem:$0x3FA0];
	_ =	sdelay $0x3  }
0x36: {  	p1 =	seq.s32 s10, $0x1;
	s10 =	sld [smem:$0x3FA1];
	_ =	sdelay $0x3  }
0x37: {  	[smem:$0x3FA1] =	sst s10  }
0x38: {  	s10 =	sld [smem:$0x3FA2]  }
0x39: {  	_ = 	snop;
	(pc) =	sbr.ind lr, $3  }
0x3a: {  	_ = 	snop  }
0x3b: {  	_ = 	snop  }
0x3c: {  	p2 =	seq.s32 s10, $0x1;
	s10 =	sld [smem:$0x3FA1]  }
0x3d: {  	_ =	shalt  }
0x3e: {  	_ =	shalt  }
0x3f: {  	_ =	shalt  }
0x40: {  	_ =	shalt  }
0x41: {  	_ =	shalt  }
0x42: {  	_ =	shalt  }
0x43: {  	_ =	shalt  }
0x44: {  	_ =	shalt  }
0x45: {  	_ =	shalt  }
0x46: {  	_ =	shalt  }
0x47: {  	_ =	shalt  }
0x48: {  	_ =	shalt  }
0x49: {  	_ =	shalt  }
0x4a: {  	_ =	shalt  }
0x4b: {  	_ =	shalt  }
0x4c: {  	_ =	shalt  }
0x4d: {  	_ =	shalt  }
0x4e: {  	_ =	shalt  }
0x4f: {  	_ =	shalt  }
0x50: {  	_ =	shalt  }
0x51: {  	_ =	shalt  }
0x52: {  	_ =	shalt  }
0x53: {  	_ =	shalt  }
0x54: {  	_ =	shalt  }
0x55: {  	_ =	shalt  }
0x56: {  	_ =	shalt  }
0x57: {  	_ =	shalt  }
0x58: {  	_ =	shalt  }
0x59: {  	_ =	shalt  }
0x5a: {  	_ =	shalt  }
0x5b: {  	_ =	shalt  }
0x5c: {  	_ =	shalt  }
0x5d: {  	_ =	shalt  }
0x5e: {  	_ =	shalt  }
0x5f: {  	_ =	shalt  }
0x60: {  	_ =	shalt  }
0x61: {  	_ =	shalt  }
0x62: {  	_ =	shalt  }
0x63: {  	_ =	shalt  }
0x64: {  	_ =	shalt  }
0x65: {  	_ =	shalt  }
0x66: {  	_ =	shalt  }
0x67: {  	_ =	shalt  }
0x68: {  	_ =	shalt  }
0x69: {  	_ =	shalt  }
0x6a: {  	_ =	shalt  }
0x6b: {  	_ =	shalt  }
0x6c: {  	_ =	shalt  }
0x6d: {  	_ =	shalt  }
0x6e: {  	_ =	shalt  }
0x6f: {  	_ =	shalt  }
0x70: {  	_ =	shalt  }
0x71: {  	_ =	shalt  }
0x72: {  	_ =	shalt  }
0x73: {  	_ =	shalt  }
0x74: {  	_ =	shalt  }
0x75: {  	_ =	shalt  }
0x76: {  	_ =	shalt  }
0x77: {  	_ =	shalt  }
0x78: {  	_ =	shalt  }
0x79: {  	_ =	shalt  }
0x7a: {  	_ =	shalt  }
0x7b: {  	_ =	shalt  }
0x7c: {  	_ =	shalt  }
0x7d: {  	_ =	shalt  }
0x7e: {  	_ =	shalt  }
0x7f: {  	_ =	shalt  }
0x80: {  	_ =	shalt  }
0x81: {  	_ =	shalt  }
0x82: {  	_ =	shalt  }
0x83: {  	_ =	shalt  }
0x84: {  	_ =	shalt  }
0x85: {  	_ =	shalt  }
0x86: {  	_ =	shalt  }
0x87: {  	_ =	shalt  }
.Lfunc_end0:
.L_simem_size_0:
called_computation_lowered:
.L_overlay_start_0:
0x88: {  	s2 =	sld [smem:$0x3FD9]  }
0x89: {  	s3 =	sld [smem:$0x3FFE];
	_ =	sdelay $0x1  }
0x8a: {  	s1 =	srdreg.scid  }
0x8b: {  	s0 =	sand.u32 $0x1, s1  }
0x8c: {  	s17 =	sshll.u32 s0, $0xA;
	s2 =	sadd.s32 s3, s2  }
0x8d: {  	s2 =	sadd.s32 s2, s17  }
0x8e: {  	[smem:$0x3FAD] =	sst s2  }
0x8f: {  	_ = 	snop  }
0x90: {  	s2 =	sld [smem:$0x3FC6]  }
0x91: {  	s18 =	sld [smem:$0x3FD0];
	(tm) =	ssettm $0x1  }
0x92: {  	s4 =	sld [smem:$0x3FFB];
	_ =	sdelay $0x3  }
0x93: {  	_ =	strace s4  }
0x94: {  	s4 =	sld [smem:$0x3FFC];
	_ =	sdelay $0x3  }
0x95: {  	_ =	strace s4  }
0x96: {  	s4 =	sld [smem:$0x3FFD];
	_ =	sdelay $0x3  }
0x97: {  	_ =	strace s4  }
0x98: {  	_ =	strace $0x8FFFFFFF  }
0x99: {  	s19 =	sld [smem:$0x3FDB];
	_ =	sdelay $0x1  }
0x9a: {  	s5 =	simm.s32 $_scs_section_size  }
0x9b: {  	s6 =	simm.s32 $_size__tile_overlayer_lowered;
	s7 =	simm.s32 $_tile_overlayer_lowered  }
0x9c: {  	s22 =	simm.s32 $0x1BFF;
	s21 =	sshll.u32 s7, $0x1;
	s4 =	sadd.s32 s5, s19  }
0x9d: {  	s8 =	simm.s32 $0x0;
	s20 =	sshll.u32 s6, $0x1;
	s6 =	sadd.s32 s21, s4  }
0x9e: {  	[timem:s8], [sflag:s22] =	dma.local [hbm:s6], s20  }
0x9f: {  	_ =	swait.ge [sflag:s22], s20  }
0xa0: {  	s5 =	ssub.s32 $0x0, s20;
	[sflag:s22] =	ssyncset.done $0x0  }
0xa1: {  	[sflag:s22] =	ssyncadd.s32 s5;
	_ =	sdelay $0x1  }
0xa2: {  	s23 =	simm.s32 $0x1B8B  }
0xa3: {  	_ =	swait.ge [sflag:s23], $0x1  }
0xa4: {  	[sflag:s23] =	ssyncset.done $0x0  }
0xa5: {  	s25 =	simm.s32 $0x1B8E;
	s24 =	sld [smem:$0x3FFE];
	[sflag:s23] =	ssyncadd.s32 $0xFFFFFFFF  }
0xa6: {  	s26 =	simm.s32 $execute0_lowered;
	[smem:$0x3FD2] =	sst s25  }
0xa7: {  	s6 =	sshll.u32 s26, $0x1;
	_ =	strace $0x80000046;
	[dreg:$0x1] =	wrdreg $0xFFFFFFFF  }
0xa8: {  	s28 =	simm.s32 $_size_execute0_lowered;
	s4 =	sadd.s32 s4, s6;
	[dreg:$0x0] =	wrdreg $0x0  }
0xa9: {  	s6 =	sshll.u32 s28, $0x1;
	[dreg:$0x2] =	wrdreg s4  }
0xaa: {  	[dreg:$0x3] =	wrdreg s6  }
0xab: {  	[dreg:$0x4] =	wrdreg $0xC0  }
0xac: {  	_ =	task [dreg:s8], $0x5FFFF  }
0xad: {  	[dreg:$0x1] =	wrdreg $0xFFFFFFFF  }
0xae: {  	[dreg:$0x0] =	wrdreg $0x60  }
0xaf: {  	[dreg:$0x2] =	wrdreg s18  }
0xb0: {  	[dreg:$0x3] =	wrdreg s24  }
0xb1: {  	[dreg:$0x4] =	wrdreg s2  }
0xb2: {  	[dreg:$0x5] =	wrdreg $0xC7000  }
0xb3: {  	[dreg:$0x6] =	wrdreg $0x9  }
0xb4: {  	_ =	task.clear_ibuf [dreg:s8], $0x7FFFF;
	_ =	strace $0x90000046  }
0xb5: {  	s29 =	simm.s32 $0x9;
	_ =	strace $0x80000048  }
0xb6: {  	_ =	swait.ge [sflag:s29], $0x1  }
0xb7: {  	[sflag:s29] =	ssyncadd.s32 $0xFFFFFFFF  }
0xb8: {  	_ =	strace $0x90000048  }
0xb9: {  	_ =	sfence  }
0xba: {  	s30 =	sld [smem:$0x0];
	_ =	sdelay $0x2  }
0xbb: {  	s31 =	sshll.u32 s1, $0xD;
	s1 =	sshrl.u32 s1, $0x2  }
0xbc: {  	s3 =	sand.u32 $0x4000, s31;
	s1 =	sadd.s32 s1, s30  }
0xbd: {  	s0 =	sor.u32 s3, s0;
	s1 =	sshll.u32 s1, $0x11  }
0xbe: {  	s0 =	sor.u32 s1, s0  }
0xbf: {  	s0 =	sadd.s32 $0x8F2B, s0  }
0xc0: {  	[sflag:s0] =	ssyncadd.remote.s32 $0x1  }
0xc1: {  	_ =	sfence.sel $0xFFFF  }
0xc2: {  	[dreg:$0x0] =	wrdreg $0xFFFFFFFF;
	(pc) =	sbr.abs _section_cstart, $3  }
0xc3: {  	[dreg:$0x1] =	wrdreg $0xFFFFFFFF  }
0xc4: {  	_ =	task.clear_ibuf [dreg:s8], $0x2FFFF;
	_ =	strace $0x9FFFFFFF  }
0xc5: {  	(tm) =	ssettm $0x7FFFFFFF  }
tec
execute0_lowered:
.L_overlay_start_1:
0x0: {  	(tag) =	ssettag $0x1  }
0x1: {  	s13 =	rddreg [dreg:$0x0]  }
0x2: {  	s0 =	rddreg [dreg:$0x1]  }
0x3: {  	s3 =	rddreg [dreg:$0x2]  }
0x4: {  	s1 =	srdreg.scid;
	s4 =	rddreg [dreg:$0x3]  }
0x5: {  	s11 =	stileid.u32;
	s5 =	simm.s32 $0x0;
	s29 =	simm.s32 $0x80  }
0x6: {  	s1 =	sand.u32 $0x1, s1;
	[smem:$0x7FF] =	sst s5;
	s28 =	sadd.s32 $0x4000, s0  }
0x7: {  	s8 =	sadd.s32 $0xDE00, s0;
	s17 =	smul.u32 $0x4E000, s11;
	s2 =	sshll.u32 s1, $0x4  }
0x8: {  	s6 =	ssub.s32 $0x2, s1;
	s14 =	smul.u32 $0x27100, s1;
	s2 =	sor.u32 s11, s2  }
0x9: {  	p0 =	sne.s32 s11, $0xF;
	s7 =	sshrl.u32 s6, $0x1;
	s2 =	smul.u32 $0x2710, s2  }
0xa: {  	_ =	strace $0x80000047;
	s1 =	smul.u32 $0x138800, s1;
	s0 =	ssub.s32 s6, s7  }
0xb: {  	[dreg:$0xf] =	wrdreg s28;
	s0 =	smax.u32 s0, $0x1;
	s2 =	sshrl.u32 s2, $0x3  }
0xc: {  	[smem:$0x7FA] =	sst s0;
	s9 =	sadd.s32 s13, s2;
	s10 =	sadd.s32 s28, s2  }
0xd: {  	s12 =	sadd.s32 $0x10, s2;
	s15 =	sadd.s32 $0x20, s2;
	[dreg:$0x10] =	wrdreg s9  }
0xe: {  	s18 =	sadd.s32 $0x30, s2;
	[dreg:$0x11] =	wrdreg s10;
	s9 =	sadd.s32 s13, s12  }
0xf: {  	s2 =	sadd.s32 $0x4E0, s2;
	s6 =	sadd.s32 s28, s12;
	[dreg:$0x12] =	wrdreg s9  }
0x10: {  	s10 =	smul.u32 $0x2710, s11;
	s16 =	sadd.s32 s13, s15;
	[dreg:$0x13] =	wrdreg s6  }
0x11: {  	s19 =	sadd.s32 s13, s18;
	[dreg:$0x14] =	wrdreg s16;
	s9 =	sadd.s32 s28, s15  }
0x12: {  	[dreg:$0x16] =	wrdreg s19;
	s6 =	sshrl.u32 s17, $0x2;
	s16 =	smul.u32 $0x13800, s11  }
0x13: {  	s11 =	simm.s32 $0x8600;
	[dreg:$0x15] =	wrdreg s9;
	s7 =	sadd.s32 s10, s14  }
0x14: {  	s9 =	sadd.s32 s28, s18;
	s31 =	sadd.s32 s6, s4;
	s20 =	sadd.s32 $0x480, s7  }
0x15: {  	[dreg:$0x17] =	wrdreg s9;
	s22 =	sadd.s32 $0x4000, s31;
	s24 =	sadd.s32 $0x400, s7  }
0x16: {  	s30 =	sadd.s32 $0x380, s7;
	s17 =	sadd.s32 $0x280, s7;
	s10 =	sadd.s32 s16, s1  }
0x17: {  	s19 =	sadd.s32 $0x200, s7;
	s1 =	sshrl.u32 s1, $0x3;
	[dreg:$0x18] =	wrdreg s31  }
0x18: {  	s16 =	simm.s32 $0x9;
	[dreg:$0x19] =	wrdreg s22;
	s22 =	sadd.s32 $0x10000, s31  }
0x19: {  	s25 =	sshrl.u32 s24, $0x3;
	s24 =	sadd.s32 s13, s2;
	[dreg:$0x1d] =	wrdreg s22  }
0x1a: {  	s21 =	sshrl.u32 s20, $0x3;
	s2 =	sadd.s32 s28, s2;
	[dreg:$0x1e] =	wrdreg s24  }
0x1b: {  	s14 =	sshrl.u32 s30, $0x3;
	s30 =	simm.s32 $0x0;
	[dreg:$0x1f] =	wrdreg s2  }
0x1c: {  	s10 =	sshrl.u32 s10, $0x3;
	s23 =	sadd.s32 s21, s28;
	[smem:$0x7FD] =	sst s30  }
0x1d: {  	s1 =	sadd.s32 s8, s1;
	s6 =	sadd.s32 s21, s13;
	[dreg:$0x5] =	wrdreg s23  }
0x1e: {  	s26 =	sadd.s32 s25, s28;
	s12 =	sadd.s32 s25, s13;
	[dreg:$0x6] =	wrdreg s6  }
0x1f: {  	s15 =	sadd.s32 s14, s28;
	s9 =	sadd.s32 s14, s13;
	[dreg:$0x7] =	wrdreg s26  }
0x20: {  	s10 =	sadd.s32 s8, s10;
	s21 =	sadd.s32 $0xC000, s31;
	[dreg:$0x8] =	wrdreg s12  }
0x21: {  	s1 =	sadd.s32 $0x27000, s1;
	s25 =	sadd.s32 $0x300, s7;
	[dreg:$0x9] =	wrdreg s15  }
0x22: {  	s2 =	simm.s32 $0x300;
	s7 =	simm.s32 $0x380;
	[dreg:$0xa] =	wrdreg s9  }
0x23: {  	s22 =	simm.s32 $0x180;
	s8 =	simm.s32 $0x7;
	[dreg:$0x1b] =	wrdreg s10  }
0x24: {  	s14 =	simm.s32 $0x1;
	s24 =	simm.s32 $0x3;
	[dreg:$0x1c] =	wrdreg s21  }
0x25: {  	s12 =	sadd.s32 $0x8000, s31;
	s6 =	sshrl.u32 s17, $0x3;
	[smem:$0x7F9] =	sst s1  }
0x26: {  	s9 =	sshrl.u32 s19, $0x3;
	[smem:$0x7FB] =	sst s25;
	s26 =	sadd.s32 $0x138000, s4  }
0x27: {  	s17 =	simm.s32 $0x100;
	s10 =	simm.s32 $0x8;
	s1 =	simm.s32 $0x4600  }
0x28: {  	s25 =	simm.s32 $0xD;
	s19 =	simm.s32 $0x2;
	[dreg:$0x1a] =	wrdreg s12  }
0x29: {  	s21 =	simm.s32 $0xA;
	s18 =	sadd.s32 s6, s28;
	[smem:$0x7FC] =	sst s26  }
0x2a: {  	s15 =	simm.s32 $0x5;
	s6 =	sadd.s32 s6, s13;
	[dreg:$0xb] =	wrdreg s18  }
0x2b: {  	s20 =	sadd.s32 s9, s28;
	s23 =	sadd.s32 s9, s13;
	[dreg:$0xc] =	wrdreg s6  }
0x2c: {  	s9 =	simm.s32 $0x600;
	s26 =	simm.s32 $0xB;
	[dreg:$0xd] =	wrdreg s20  }
0x2d: {  	s13 =	simm.s32 $0xC;
	s12 =	simm.s32 $0x4600;
	[dreg:$0xe] =	wrdreg s23  }
0x2e: {  	v0 =	vimm.f32 $0.0e+00;
	s18 =	simm.s32 $0x400;
	s23 =	simm.s32 $0x480;
	s20 =	simm.s32 $0x4  }
.LBB2_1:
0x2f: {  	s0 =	rddreg [dreg:$0x10]  }
0x30: {  	[tilespmem:s5], [sflag:$0x7] =	stream.linear.gather [hbm4b:s0+s5], $0x80, $0x38;
	[tilespmem:$0x1FF80] =	vst v63  }
0x31: {  	s30 =	rddreg [dreg:$0x11]  }
0x32: {  	[tilespmem:s2], [sflag:$0x7] =	stream.linear.gather [hbm4b:s30+s5], $0x80, $0x38;
	[tilespmem:$0x1FF80] =	vst v63  }
0x33: {  	s6 =	rddreg [dreg:$0x12]  }
0x34: {  	[tilespmem:s29], [sflag:$0x8] =	stream.linear.gather [hbm4b:s6+s5], $0x80, $0x38;
	[tilespmem:$0x1FF80] =	vst v63  }
0x35: {  	s28 =	rddreg [dreg:$0x13]  }
0x36: {  	[tilespmem:s7], [sflag:$0x8] =	stream.linear.gather [hbm4b:s28+s5], $0x80, $0x38;
	[tilespmem:$0x1FF80] =	vst v63  }
0x37: {  	s30 =	rddreg [dreg:$0x14]  }
0x38: {  	[tilespmem:s17], [sflag:$0x9] =	stream.linear.gather [hbm4b:s30+s5], $0x80, $0x38;
	[tilespmem:$0x1FF80] =	vst v63  }
0x39: {  	s6 =	rddreg [dreg:$0x15]  }
0x3a: {  	[tilespmem:s18], [sflag:$0x9] =	stream.linear.gather [hbm4b:s6+s5], $0x80, $0x38;
	[tilespmem:$0x1FF80] =	vst v63  }
0x3b: {  	s28 =	rddreg [dreg:$0x16]  }
0x3c: {  	[tilespmem:s22], [sflag:$0xA] =	stream.linear.gather [hbm4b:s28+s5], $0x80, $0x38;
	[tilespmem:$0x1FF80] =	vst v63  }
0x3d: {  	s30 =	rddreg [dreg:$0x17]  }
0x3e: {  	[tilespmem:s23], [sflag:$0xA] =	stream.linear.gather [hbm4b:s30+s5], $0x80, $0x38;
	[tilespmem:$0x1FF80] =	vst v63  }
0x3f: {  	_ =	swait.ge [sflag:s8], $0x80  }
0x40: {  	[sflag:s8] =	ssyncset.done $0x0  }
0x41: {  	[sflag:s8] =	ssyncadd.s32 $0xFFFFFF80  }
0x42: {  	_ =	swait.ge [sflag:s8], $0x80  }
0x43: {  	[sflag:s8] =	ssyncset.done $0x0  }
0x44: {  	[sflag:s8] =	ssyncadd.s32 $0xFFFFFF80  }
0x45: {  	[tilespmem:s9], [sflag:$0x1] =	stream.indirect.gather [hbm4b:s3+s29], $0x80, s5, s29, $0xb8;
	[tilespmem:$0x1FF80] =	vst v63  }
0x46: {  	_ =	swait.ge [sflag:s10], $0x80  }
0x47: {  	[sflag:s10] =	ssyncset.done $0x0  }
0x48: {  	[sflag:s10] =	ssyncadd.s32 $0xFFFFFF80  }
0x49: {  	_ =	swait.ge [sflag:s10], $0x80  }
0x4a: {  	[sflag:s10] =	ssyncset.done $0x0  }
0x4b: {  	s0 =	simm.s32 $0x0;
	s6 =	simm.s32 $0x200;
	[sflag:s10] =	ssyncadd.s32 $0xFFFFFF80  }
0x4c: {  	[tilespmem:s1], [sflag:$0x2] =	stream.indirect.gather [hbm4b:s3+s29], $0x80, s29, s29, $0xb8;
	[tilespmem:$0x1FF80] =	vst v63  }
.LBB2_2:
0x4d: {  	p1 =	sne.s32 s6, $0xFE00;
	[tilespmem:s0+$0x8670] =	vst v0  }
0x4e: {  	[tilespmem:s0+$0x8600] =	vst v0  }
0x4f: {  	[tilespmem:s0+$0x8610] =	vst v0  }
.Ltmp0:
0x50: {  	[tilespmem:s0+$0x8620] =	vst v0;
	(pc) =	sbr.rel @p1 .LBB2_2-.Ltmp0, $4  }
0x51: {  	[tilespmem:s0+$0x8630] =	vst v0  }
0x52: {  	[tilespmem:s0+$0x8640] =	vst v0  }
0x53: {  	[tilespmem:s0+$0x8650] =	vst v0  }
0x54: {  	[tilespmem:s0+$0x8660] =	vst v0;
	s0 =	sshra.s32 s6, $0x2;
	s6 =	sadd.s32 $0x200, s6  }
0x55: {  	[tilespmem:s0+$0x8670] =	vst v0  }
0x56: {  	[tilespmem:s0+$0x8600] =	vst v0  }
0x57: {  	[tilespmem:s0+$0x8610] =	vst v0  }
0x58: {  	[tilespmem:s0+$0x8620] =	vst v0  }
0x59: {  	[tilespmem:s0+$0x8630] =	vst v0  }
0x5a: {  	[tilespmem:s0+$0x8640] =	vst v0  }
0x5b: {  	[tilespmem:s0+$0x8650] =	vst v0  }
0x5c: {  	[tilespmem:s0+$0x8660] =	vst v0  }
0x5d: {  	[spmem:s31] =	stream.linear.scatter [tilespmem:s11], [sflag:$0xD], $0x4000, $0x38;
	[tilespmem:$0x1FF80] =	vst v63  }
0x5e: {  	_ =	swait.ge [sflag:s25], $0x4000  }
0x5f: {  	[sflag:s25] =	ssyncset.done $0x0  }
0x60: {  	s6 =	rddreg [dreg:$0x19];
	[sflag:s25] =	ssyncadd.s32 $0xFFFFC000  }
0x61: {  	[spmem:s6] =	stream.linear.scatter [tilespmem:s11], [sflag:$0xD], $0x4000, $0x38;
	[tilespmem:$0x1FF80] =	vst v63  }
0x62: {  	_ =	swait.ge [sflag:s25], $0x4000  }
0x63: {  	[sflag:s25] =	ssyncset.done $0x0  }
0x64: {  	s31 =	rddreg [dreg:$0x1a];
	[sflag:s25] =	ssyncadd.s32 $0xFFFFC000  }
0x65: {  	[spmem:s31] =	stream.linear.scatter [tilespmem:s11], [sflag:$0xD], $0x4000, $0x38;
	[tilespmem:$0x1FF80] =	vst v63  }
0x66: {  	_ =	swait.ge [sflag:s25], $0x4000  }
0x67: {  	[sflag:s25] =	ssyncset.done $0x0  }
0x68: {  	s1 =	rddreg [dreg:$0x1c];
	[sflag:s25] =	ssyncadd.s32 $0xFFFFC000  }
0x69: {  	[spmem:s1] =	stream.linear.scatter [tilespmem:s11], [sflag:$0xD], $0x4000, $0x38;
	[tilespmem:$0x1FF80] =	vst v63  }
0x6a: {  	_ =	swait.ge [sflag:s25], $0x4000  }
0x6b: {  	[sflag:s25] =	ssyncset.done $0x0  }
0x6c: {  	s6 =	rddreg [dreg:$0x1d];
	[sflag:s25] =	ssyncadd.s32 $0xFFFFC000  }
0x6d: {  	[spmem:s6] =	stream.linear.scatter [tilespmem:s11], [sflag:$0xD], $0x3800, $0x38;
	[tilespmem:$0x1FF80] =	vst v63  }
0x6e: {  	_ =	swait.ge [sflag:s25], $0x3800  }
0x6f: {  	s1 =	sld [smem:$0x7FC]  }
0x70: {  	[sflag:s25] =	ssyncset.done $0x0  }
0x71: {  	s0 =	simm.s32 @!p0 $0x8600;
	[sflag:s25] =	ssyncadd.s32 $0xFFFFC800  }
0x72: {  	[spmem:s1] =	stream.linear.scatter @!p0 [tilespmem:s0], [sflag:$0xD], $0x800, $0x38;
	[tilespmem:$0x1FF80] =	vst v63  }
0x73: {  	s0 =	simm.s32 @!p0 $0xD  }
0x74: {  	_ =	swait.ge @!p0 [sflag:s0], $0x800  }
0x75: {  	[sflag:s0] =	ssyncset.done @!p0 $0x0  }
0x76: {  	[sflag:s0] =	ssyncadd.s32 @!p0 $0xFFFFF800  }
0x77: {  	[bflag:$0x0] =	sbarrier.arrive $0xFFFF  }
0x78: {  	_ =	swait.ge [sflag:s14], $0x4000  }
0x79: {  	p1 =	por $0x1, $0x1;
	[sflag:s14] =	ssyncset.done $0x0  }
0x7a: {  	s0 =	simm.s32 @!p1 $0x6;
	[sflag:s14] =	ssyncadd.s32 $0xFFFFC000  }
0x7b: {  	[spmem:s4] =	stream.indirect.scatter.add.f32 [tilespmem:s9], [sflag:$0x4], $0x80, s2, s29, $0xb8;
	[tilespmem:$0x1FF80] =	vst v63  }
0x7c: {  	_ =	swait.ge @!p1 [sflag:s0], $0x4000  }
0x7d: {  	[sflag:s0] =	ssyncset.done @!p1 $0x0  }
0x7e: {  	[sflag:s0] =	ssyncadd.s32 @!p1 $0xFFFFC000  }
0x7f: {  	_ =	swait.ge [sflag:s16], $0x80  }
0x80: {  	[sflag:s16] =	ssyncset.done $0x0  }
0x81: {  	[sflag:s16] =	ssyncadd.s32 $0xFFFFFF80  }
0x82: {  	_ =	swait.ge [sflag:s16], $0x80  }
0x83: {  	[sflag:s16] =	ssyncset.done $0x0  }
0x84: {  	s25 =	rddreg [dreg:$0xe];
	[sflag:s16] =	ssyncadd.s32 $0xFFFFFF80  }
0x85: {  	[tilespmem:s11], [sflag:$0x3] =	stream.indirect.gather [hbm4b:s3+s29], $0x80, s17, s29, $0xb8;
	[tilespmem:$0x1FF80] =	vst v63  }
0x86: {  	s1 =	simm.s32 $0x200;
	s6 =	rddreg [dreg:$0xd];
	s0 =	sadd.s32 $0x0, s25  }
0x87: {  	[tilespmem:s1], [sflag:$0xB] =	stream.linear.gather [hbm4b:s0+s5], $0x80, $0x38;
	[tilespmem:$0x1FF80] =	vst v63  }
0x88: {  	s9 =	simm.s32 $0x500;
	s31 =	sadd.s32 $0x0, s6  }
0x89: {  	[tilespmem:s9], [sflag:$0xB] =	stream.linear.gather [hbm4b:s31+s5], $0x80, $0x38;
	[tilespmem:$0x1FF80] =	vst v63  }
0x8a: {  	_ =	swait.ge [sflag:s19], $0x4000  }
0x8b: {  	[sflag:s19] =	ssyncset.done $0x0  }
0x8c: {  	[sflag:s19] =	ssyncadd.s32 $0xFFFFC000  }
0x8d: {  	[spmem:s4] =	stream.indirect.scatter.add.f32 [tilespmem:s12], [sflag:$0x5], $0x80, s7, s29, $0xb8;
	[tilespmem:$0x1FF80] =	vst v63  }
0x8e: {  	_ =	swait.ge [sflag:s20], $0x4000  }
0x8f: {  	[sflag:s20] =	ssyncset.done $0x0  }
0x90: {  	[sflag:s20] =	ssyncadd.s32 $0xFFFFC000  }
0x91: {  	_ =	swait.ge [sflag:s21], $0x80  }
0x92: {  	[sflag:s21] =	ssyncset.done $0x0  }
0x93: {  	[sflag:s21] =	ssyncadd.s32 $0xFFFFFF80  }
0x94: {  	_ =	swait.ge [sflag:s21], $0x80  }
0x95: {  	[sflag:s21] =	ssyncset.done $0x0  }
0x96: {  	s11 =	simm.s32 $0x600;
	s6 =	rddreg [dreg:$0xc];
	[sflag:s21] =	ssyncadd.s32 $0xFFFFFF80  }
0x97: {  	[tilespmem:s11], [sflag:$0x1] =	stream.indirect.gather [hbm4b:s3+s29], $0x80, s22, s29, $0xb8;
	[tilespmem:$0x1FF80] =	vst v63  }
0x98: {  	s28 =	simm.s32 $0x280;
	s31 =	rddreg [dreg:$0xb];
	s0 =	sadd.s32 $0x0, s6  }
0x99: {  	[tilespmem:s28], [sflag:$0xC] =	stream.linear.gather [hbm4b:s0+s5], $0x80, $0x38;
	[tilespmem:$0x1FF80] =	vst v63  }
0x9a: {  	s30 =	simm.s32 $0x580;
	s31 =	sadd.s32 $0x0, s31  }
0x9b: {  	[tilespmem:s30], [sflag:$0xC] =	stream.linear.gather [hbm4b:s31+s5], $0x80, $0x38;
	[tilespmem:$0x1FF80] =	vst v63  }
0x9c: {  	_ =	swait.ge [sflag:s24], $0x4000  }
0x9d: {  	[sflag:s24] =	ssyncset.done $0x0  }
0x9e: {  	s25 =	simm.s32 $0x8600;
	[sflag:s24] =	ssyncadd.s32 $0xFFFFC000  }
0x9f: {  	[spmem:s4] =	stream.indirect.scatter.add.f32 [tilespmem:s25], [sflag:$0x6], $0x80, s18, s29, $0xb8;
	[tilespmem:$0x1FF80] =	vst v63  }
0xa0: {  	_ =	swait.ge [sflag:s15], $0x4000  }
0xa1: {  	[sflag:s15] =	ssyncset.done $0x0  }
0xa2: {  	[sflag:s15] =	ssyncadd.s32 $0xFFFFC000  }
0xa3: {  	_ =	swait.ge [sflag:s26], $0x80  }
0xa4: {  	[sflag:s26] =	ssyncset.done $0x0  }
0xa5: {  	[sflag:s26] =	ssyncadd.s32 $0xFFFFFF80  }
0xa6: {  	_ =	swait.ge [sflag:s26], $0x80  }
0xa7: {  	[sflag:s26] =	ssyncset.done $0x0;
	s31 =	sld [smem:$0x7FB]  }
0xa8: {  	[sflag:s26] =	ssyncadd.s32 $0xFFFFFF80  }
0xa9: {  	[tilespmem:s12], [sflag:$0x2] =	stream.indirect.gather [hbm4b:s3+s29], $0x80, s1, s29, $0xb8;
	[tilespmem:$0x1FF80] =	vst v63  }
0xaa: {  	s6 =	rddreg [dreg:$0x0];
	s0 =	sshrl.u32 s31, $0x3  }
0xab: {  	s1 =	rddreg [dreg:$0xf];
	s25 =	sadd.s32 s6, s0  }
0xac: {  	[tilespmem:s5], [sflag:$0x7] =	stream.linear.gather [hbm4b:s25+s5], $0x80, $0x38;
	[tilespmem:$0x1FF80] =	vst v63  }
0xad: {  	s0 =	sadd.s32 s1, s0  }
0xae: {  	[tilespmem:s2], [sflag:$0x7] =	stream.linear.gather [hbm4b:s0+s5], $0x80, $0x38;
	[tilespmem:$0x1FF80] =	vst v63  }
0xaf: {  	_ =	swait.ge [sflag:s14], $0x4000  }
0xb0: {  	[sflag:s14] =	ssyncset.done $0x0  }
0xb1: {  	s25 =	simm.s32 $0x6;
	[sflag:s14] =	ssyncadd.s32 $0xFFFFC000  }
0xb2: {  	[spmem:s4] =	stream.indirect.scatter.add.f32 [tilespmem:s11], [sflag:$0x4], $0x80, s23, s29, $0xb8;
	[tilespmem:$0x1FF80] =	vst v63  }
0xb3: {  	_ =	swait.ge [sflag:s25], $0x4000  }
0xb4: {  	[sflag:s25] =	ssyncset.done $0x0  }
0xb5: {  	[sflag:s25] =	ssyncadd.s32 $0xFFFFC000  }
0xb6: {  	_ =	swait.ge [sflag:s13], $0x80  }
0xb7: {  	[sflag:s13] =	ssyncset.done $0x0  }
0xb8: {  	[sflag:s13] =	ssyncadd.s32 $0xFFFFFF80  }
0xb9: {  	_ =	swait.ge [sflag:s13], $0x80  }
0xba: {  	[sflag:s13] =	ssyncset.done $0x0  }
0xbb: {  	s11 =	simm.s32 $0x8600;
	s1 =	rddreg [dreg:$0xa];
	[sflag:s13] =	ssyncadd.s32 $0xFFFFFF80  }
0xbc: {  	[tilespmem:s11], [sflag:$0x3] =	stream.indirect.gather [hbm4b:s3+s29], $0x80, s28, s29, $0xb8;
	[tilespmem:$0x1FF80] =	vst v63  }
0xbd: {  	s2 =	rddreg [dreg:$0x9];
	s0 =	sadd.s32 $0x0, s1  }
0xbe: {  	[tilespmem:s29], [sflag:$0x8] =	stream.linear.gather [hbm4b:s0+s5], $0x80, $0x38;
	[tilespmem:$0x1FF80] =	vst v63  }
0xbf: {  	s6 =	sadd.s32 $0x0, s2  }
0xc0: {  	[tilespmem:s7], [sflag:$0x8] =	stream.linear.gather [hbm4b:s6+s5], $0x80, $0x38;
	[tilespmem:$0x1FF80] =	vst v63  }
0xc1: {  	_ =	swait.ge [sflag:s19], $0x4000  }
0xc2: {  	[sflag:s19] =	ssyncset.done $0x0  }
0xc3: {  	[sflag:s19] =	ssyncadd.s32 $0xFFFFC000  }
0xc4: {  	[spmem:s4] =	stream.indirect.scatter.add.f32 [tilespmem:s12], [sflag:$0x5], $0x80, s9, s29, $0xb8;
	[tilespmem:$0x1FF80] =	vst v63  }
0xc5: {  	_ =	swait.ge [sflag:s20], $0x4000  }
0xc6: {  	[sflag:s20] =	ssyncset.done $0x0  }
0xc7: {  	[sflag:s20] =	ssyncadd.s32 $0xFFFFC000  }
0xc8: {  	_ =	swait.ge [sflag:s8], $0x80  }
0xc9: {  	[sflag:s8] =	ssyncset.done $0x0  }
0xca: {  	[sflag:s8] =	ssyncadd.s32 $0xFFFFFF80  }
0xcb: {  	_ =	swait.ge [sflag:s8], $0x80  }
0xcc: {  	[sflag:s8] =	ssyncset.done $0x0  }
0xcd: {  	s9 =	simm.s32 $0x600;
	s7 =	rddreg [dreg:$0x8];
	[sflag:s8] =	ssyncadd.s32 $0xFFFFFF80  }
0xce: {  	[tilespmem:s9], [sflag:$0x1] =	stream.indirect.gather [hbm4b:s3+s29], $0x80, s5, s29, $0xb8;
	[tilespmem:$0x1FF80] =	vst v63  }
0xcf: {  	s8 =	rddreg [dreg:$0x7];
	s0 =	sadd.s32 $0x0, s7  }
0xd0: {  	[tilespmem:s17], [sflag:$0x9] =	stream.linear.gather [hbm4b:s0+s5], $0x80, $0x38;
	[tilespmem:$0x1FF80] =	vst v63  }
0xd1: {  	s23 =	sadd.s32 $0x0, s8  }
0xd2: {  	[tilespmem:s18], [sflag:$0x9] =	stream.linear.gather [hbm4b:s23+s5], $0x80, $0x38;
	[tilespmem:$0x1FF80] =	vst v63  }
0xd3: {  	_ =	swait.ge [sflag:s24], $0x4000  }
0xd4: {  	[sflag:s24] =	ssyncset.done $0x0  }
0xd5: {  	[sflag:s24] =	ssyncadd.s32 $0xFFFFC000  }
0xd6: {  	[spmem:s4] =	stream.indirect.scatter.add.f32 [tilespmem:s11], [sflag:$0x6], $0x80, s30, s29, $0xb8;
	[tilespmem:$0x1FF80] =	vst v63  }
0xd7: {  	_ =	swait.ge [sflag:s15], $0x4000  }
0xd8: {  	[sflag:s15] =	ssyncset.done $0x0  }
0xd9: {  	[sflag:s15] =	ssyncadd.s32 $0xFFFFC000  }
0xda: {  	_ =	swait.ge [sflag:s10], $0x80  }
0xdb: {  	[sflag:s10] =	ssyncset.done $0x0  }
0xdc: {  	[sflag:s10] =	ssyncadd.s32 $0xFFFFFF80  }
0xdd: {  	_ =	swait.ge [sflag:s10], $0x80  }
0xde: {  	[sflag:s10] =	ssyncset.done $0x0  }
0xdf: {  	s25 =	rddreg [dreg:$0x6];
	[sflag:s10] =	ssyncadd.s32 $0xFFFFFF80  }
0xe0: {  	[tilespmem:s12], [sflag:$0x2] =	stream.indirect.gather [hbm4b:s3+s29], $0x80, s29, s29, $0xb8;
	[tilespmem:$0x1FF80] =	vst v63  }
0xe1: {  	s28 =	smov.u32 s31;
	s0 =	sadd.s32 $0x0, s25  }
0xe2: {  	[tilespmem:s22], [sflag:$0xA] =	stream.linear.gather [hbm4b:s0+s5], $0x80, $0x38;
	[tilespmem:$0x1FF80] =	vst v63  }
0xe3: {  	s6 =	simm.s32 $0x60;
	s30 =	rddreg [dreg:$0x5];
	s0 =	simm.s32 $0x0  }
.LBB2_4:
0xe4: {  	s30 =	sadd.s32 s0, s30;
	s23 =	simm.s32 $0x480  }
0xe5: {  	[tilespmem:s23], [sflag:$0xA] =	stream.linear.gather [hbm4b:s30+s5], $0x80, $0x38;
	[tilespmem:$0x1FF80] =	vst v63  }
0xe6: {  	s0 =	smov.u32 s6;
	_ =	swait.ge [sflag:s14], $0x4000  }
0xe7: {  	p2 =	seq.s32 s0, $0x0;
	[sflag:s14] =	ssyncset.done $0x0  }
0xe8: {  	s10 =	simm.s32 $0x300;
	s30 =	simm.s32 @!p2 $0x6;
	[sflag:s14] =	ssyncadd.s32 $0xFFFFC000  }
0xe9: {  	[spmem:s4] =	stream.indirect.scatter.add.f32 [tilespmem:s9], [sflag:$0x4], $0x80, s10, s29, $0xb8;
	[tilespmem:$0x1FF80] =	vst v63  }
0xea: {  	_ =	swait.ge @!p2 [sflag:s30], $0x4000  }
0xeb: {  	[sflag:s30] =	ssyncset.done @!p2 $0x0  }
0xec: {  	[sflag:s30] =	ssyncadd.s32 @!p2 $0xFFFFC000  }
0xed: {  	_ =	swait.ge [sflag:s16], $0x80  }
0xee: {  	[sflag:s16] =	ssyncset.done $0x0  }
0xef: {  	[sflag:s16] =	ssyncadd.s32 $0xFFFFFF80  }
0xf0: {  	_ =	swait.ge [sflag:s16], $0x80  }
0xf1: {  	[sflag:s16] =	ssyncset.done $0x0  }
0xf2: {  	s22 =	simm.s32 $0x100;
	s30 =	rddreg [dreg:$0xe];
	[sflag:s16] =	ssyncadd.s32 $0xFFFFFF80  }
0xf3: {  	[tilespmem:s11], [sflag:$0x3] =	stream.indirect.gather [hbm4b:s3+s29], $0x80, s22, s29, $0xb8;
	[tilespmem:$0x1FF80] =	vst v63  }
0xf4: {  	s1 =	simm.s32 $0x200;
	s31 =	rddreg [dreg:$0xd];
	s30 =	sadd.s32 s0, s30  }
0xf5: {  	[tilespmem:s1], [sflag:$0xB] =	stream.linear.gather [hbm4b:s30+s5], $0x80, $0x38;
	[tilespmem:$0x1FF80] =	vst v63  }
0xf6: {  	s9 =	simm.s32 $0x500;
	s30 =	sadd.s32 s0, s31  }
0xf7: {  	[tilespmem:s9], [sflag:$0xB] =	stream.linear.gather [hbm4b:s30+s5], $0x80, $0x38;
	[tilespmem:$0x1FF80] =	vst v63  }
0xf8: {  	_ =	swait.ge [sflag:s19], $0x4000  }
0xf9: {  	[sflag:s19] =	ssyncset.done $0x0  }
0xfa: {  	s8 =	simm.s32 $0x380;
	[sflag:s19] =	ssyncadd.s32 $0xFFFFC000  }
0xfb: {  	[spmem:s4] =	stream.indirect.scatter.add.f32 [tilespmem:s12], [sflag:$0x5], $0x80, s8, s29, $0xb8;
	[tilespmem:$0x1FF80] =	vst v63  }
0xfc: {  	_ =	swait.ge [sflag:s20], $0x4000  }
0xfd: {  	[sflag:s20] =	ssyncset.done $0x0  }
0xfe: {  	[sflag:s20] =	ssyncadd.s32 $0xFFFFC000  }
0xff: {  	_ =	swait.ge [sflag:s21], $0x80  }
0x100: {  	[sflag:s21] =	ssyncset.done $0x0  }
0x101: {  	[sflag:s21] =	ssyncadd.s32 $0xFFFFFF80  }
0x102: {  	_ =	swait.ge [sflag:s21], $0x80  }
0x103: {  	s17 =	simm.s32 $0x180;
	[sflag:s21] =	ssyncset.done $0x0  }
0x104: {  	s11 =	simm.s32 $0x600;
	s30 =	rddreg [dreg:$0xc];
	[sflag:s21] =	ssyncadd.s32 $0xFFFFFF80  }
0x105: {  	[tilespmem:s11], [sflag:$0x1] =	stream.indirect.gather [hbm4b:s3+s29], $0x80, s17, s29, $0xb8;
	[tilespmem:$0x1FF80] =	vst v63  }
0x106: {  	s7 =	simm.s32 $0x280;
	s18 =	rddreg [dreg:$0xb];
	s30 =	sadd.s32 s0, s30  }
0x107: {  	[tilespmem:s7], [sflag:$0xC] =	stream.linear.gather [hbm4b:s30+s5], $0x80, $0x38;
	[tilespmem:$0x1FF80] =	vst v63  }
0x108: {  	s30 =	sadd.s32 s0, s18;
	s18 =	simm.s32 $0x580  }
0x109: {  	[tilespmem:s18], [sflag:$0xC] =	stream.linear.gather [hbm4b:s30+s5], $0x80, $0x38;
	[tilespmem:$0x1FF80] =	vst v63  }
0x10a: {  	_ =	swait.ge [sflag:s24], $0x4000  }
0x10b: {  	[sflag:s24] =	ssyncset.done $0x0  }
0x10c: {  	s25 =	simm.s32 $0x8600;
	s2 =	simm.s32 $0x400;
	[sflag:s24] =	ssyncadd.s32 $0xFFFFC000  }
0x10d: {  	[spmem:s4] =	stream.indirect.scatter.add.f32 [tilespmem:s25], [sflag:$0x6], $0x80, s2, s29, $0xb8;
	[tilespmem:$0x1FF80] =	vst v63  }
0x10e: {  	_ =	swait.ge [sflag:s15], $0x4000  }
0x10f: {  	[sflag:s15] =	ssyncset.done $0x0  }
0x110: {  	[sflag:s15] =	ssyncadd.s32 $0xFFFFC000  }
0x111: {  	_ =	swait.ge [sflag:s26], $0x80  }
0x112: {  	[sflag:s26] =	ssyncset.done $0x0  }
0x113: {  	[sflag:s26] =	ssyncadd.s32 $0xFFFFFF80  }
0x114: {  	_ =	swait.ge [sflag:s26], $0x80  }
0x115: {  	[sflag:s26] =	ssyncset.done $0x0  }
0x116: {  	s28 =	sadd.s32 $0x300, s28;
	[sflag:s26] =	ssyncadd.s32 $0xFFFFFF80  }
0x117: {  	[tilespmem:s12], [sflag:$0x2] =	stream.indirect.gather [hbm4b:s3+s29], $0x80, s1, s29, $0xb8;
	[tilespmem:$0x1FF80] =	vst v63  }
0x118: {  	s30 =	sshrl.u32 s28, $0x3;
	s31 =	rddreg [dreg:$0x0]  }
0x119: {  	s25 =	rddreg [dreg:$0xf];
	s31 =	sadd.s32 s31, s30  }
0x11a: {  	[tilespmem:s5], [sflag:$0x7] =	stream.linear.gather [hbm4b:s31+s5], $0x80, $0x38;
	[tilespmem:$0x1FF80] =	vst v63  }
0x11b: {  	s30 =	sadd.s32 s25, s30  }
0x11c: {  	[tilespmem:s10], [sflag:$0x7] =	stream.linear.gather [hbm4b:s30+s5], $0x80, $0x38;
	[tilespmem:$0x1FF80] =	vst v63  }
0x11d: {  	_ =	swait.ge [sflag:s14], $0x4000  }
0x11e: {  	[sflag:s14] =	ssyncset.done $0x0  }
0x11f: {  	s31 =	simm.s32 $0x6;
	[sflag:s14] =	ssyncadd.s32 $0xFFFFC000  }
0x120: {  	[spmem:s4] =	stream.indirect.scatter.add.f32 [tilespmem:s11], [sflag:$0x4], $0x80, s23, s29, $0xb8;
	[tilespmem:$0x1FF80] =	vst v63  }
0x121: {  	_ =	swait.ge [sflag:s31], $0x4000  }
0x122: {  	[sflag:s31] =	ssyncset.done $0x0  }
0x123: {  	[sflag:s31] =	ssyncadd.s32 $0xFFFFC000  }
0x124: {  	_ =	swait.ge [sflag:s13], $0x80  }
0x125: {  	[sflag:s13] =	ssyncset.done $0x0  }
0x126: {  	[sflag:s13] =	ssyncadd.s32 $0xFFFFFF80  }
0x127: {  	_ =	swait.ge [sflag:s13], $0x80  }
0x128: {  	[sflag:s13] =	ssyncset.done $0x0  }
0x129: {  	s11 =	simm.s32 $0x8600;
	s30 =	rddreg [dreg:$0xa];
	[sflag:s13] =	ssyncadd.s32 $0xFFFFFF80  }
0x12a: {  	[tilespmem:s11], [sflag:$0x3] =	stream.indirect.gather [hbm4b:s3+s29], $0x80, s7, s29, $0xb8;
	[tilespmem:$0x1FF80] =	vst v63  }
0x12b: {  	s25 =	rddreg [dreg:$0x9];
	s30 =	sadd.s32 s0, s30  }
0x12c: {  	[tilespmem:s29], [sflag:$0x8] =	stream.linear.gather [hbm4b:s30+s5], $0x80, $0x38;
	[tilespmem:$0x1FF80] =	vst v63  }
0x12d: {  	s30 =	sadd.s32 s0, s25  }
0x12e: {  	[tilespmem:s8], [sflag:$0x8] =	stream.linear.gather [hbm4b:s30+s5], $0x80, $0x38;
	[tilespmem:$0x1FF80] =	vst v63  }
0x12f: {  	_ =	swait.ge [sflag:s19], $0x4000  }
0x130: {  	[sflag:s19] =	ssyncset.done $0x0  }
0x131: {  	[sflag:s19] =	ssyncadd.s32 $0xFFFFC000  }
0x132: {  	[spmem:s4] =	stream.indirect.scatter.add.f32 [tilespmem:s12], [sflag:$0x5], $0x80, s9, s29, $0xb8;
	[tilespmem:$0x1FF80] =	vst v63  }
0x133: {  	_ =	swait.ge [sflag:s20], $0x4000  }
0x134: {  	[sflag:s20] =	ssyncset.done $0x0  }
0x135: {  	s8 =	simm.s32 $0x7;
	[sflag:s20] =	ssyncadd.s32 $0xFFFFC000  }
0x136: {  	_ =	swait.ge [sflag:s8], $0x80  }
0x137: {  	[sflag:s8] =	ssyncset.done $0x0  }
0x138: {  	[sflag:s8] =	ssyncadd.s32 $0xFFFFFF80  }
0x139: {  	_ =	swait.ge [sflag:s8], $0x80  }
0x13a: {  	[sflag:s8] =	ssyncset.done $0x0  }
0x13b: {  	s9 =	simm.s32 $0x600;
	s30 =	rddreg [dreg:$0x8];
	[sflag:s8] =	ssyncadd.s32 $0xFFFFFF80  }
0x13c: {  	[tilespmem:s9], [sflag:$0x1] =	stream.indirect.gather [hbm4b:s3+s29], $0x80, s5, s29, $0xb8;
	[tilespmem:$0x1FF80] =	vst v63  }
0x13d: {  	s23 =	rddreg [dreg:$0x7];
	s30 =	sadd.s32 s0, s30  }
0x13e: {  	[tilespmem:s22], [sflag:$0x9] =	stream.linear.gather [hbm4b:s30+s5], $0x80, $0x38;
	[tilespmem:$0x1FF80] =	vst v63  }
0x13f: {  	s30 =	sadd.s32 s0, s23  }
0x140: {  	[tilespmem:s2], [sflag:$0x9] =	stream.linear.gather [hbm4b:s30+s5], $0x80, $0x38;
	[tilespmem:$0x1FF80] =	vst v63  }
0x141: {  	_ =	swait.ge [sflag:s24], $0x4000  }
0x142: {  	[sflag:s24] =	ssyncset.done $0x0  }
0x143: {  	[sflag:s24] =	ssyncadd.s32 $0xFFFFC000  }
0x144: {  	[spmem:s4] =	stream.indirect.scatter.add.f32 [tilespmem:s11], [sflag:$0x6], $0x80, s18, s29, $0xb8;
	[tilespmem:$0x1FF80] =	vst v63  }
0x145: {  	_ =	swait.ge [sflag:s15], $0x4000  }
0x146: {  	[sflag:s15] =	ssyncset.done $0x0  }
0x147: {  	s10 =	simm.s32 $0x8;
	[sflag:s15] =	ssyncadd.s32 $0xFFFFC000  }
0x148: {  	_ =	swait.ge [sflag:s10], $0x80  }
0x149: {  	[sflag:s10] =	ssyncset.done $0x0  }
0x14a: {  	s6 =	sadd.s32 $0x60, s6;
	[sflag:s10] =	ssyncadd.s32 $0xFFFFFF80  }
0x14b: {  	p1 =	sne.s32 s6, $0x4E0;
	_ =	swait.ge [sflag:s10], $0x80  }
.Ltmp1:
0x14c: {  	[sflag:s10] =	ssyncset.done $0x0;
	(pc) =	sbr.rel @p1 .LBB2_4-.Ltmp1, $4  }
0x14d: {  	s25 =	rddreg [dreg:$0x6];
	[sflag:s10] =	ssyncadd.s32 $0xFFFFFF80  }
0x14e: {  	[tilespmem:s12], [sflag:$0x2] =	stream.indirect.gather [hbm4b:s3+s29], $0x80, s29, s29, $0xb8;
	[tilespmem:$0x1FF80] =	vst v63  }
0x14f: {  	s1 =	simm.s32 $0x480;
	s30 =	rddreg [dreg:$0x5];
	s31 =	sadd.s32 s0, s25  }
0x150: {  	[tilespmem:s17], [sflag:$0xA] =	stream.linear.gather [hbm4b:s31+s5], $0x80, $0x38;
	[tilespmem:$0x1FF80] =	vst v63  }
0x151: {  	s0 =	sadd.s32 s0, s30;
	s6 =	simm.s32 $0x6  }
0x152: {  	[tilespmem:s1], [sflag:$0xA] =	stream.linear.gather [hbm4b:s0+s5], $0x80, $0x38;
	[tilespmem:$0x1FF80] =	vst v63  }
0x153: {  	_ =	swait.ge [sflag:s6], $0x4000  }
0x154: {  	[sflag:s6] =	ssyncset.done $0x0  }
0x155: {  	[sflag:s6] =	ssyncadd.s32 $0xFFFFC000  }
0x156: {  	_ =	swait.ge [sflag:s14], $0x4000  }
0x157: {  	[sflag:s14] =	ssyncset.done $0x0  }
0x158: {  	[sflag:s14] =	ssyncadd.s32 $0xFFFFC000  }
0x159: {  	_ =	swait.ge [sflag:s19], $0x4000  }
0x15a: {  	[sflag:s19] =	ssyncset.done $0x0  }
0x15b: {  	[sflag:s19] =	ssyncadd.s32 $0xFFFFC000  }
0x15c: {  	_ =	swait.ge [sflag:s16], $0x80  }
0x15d: {  	[sflag:s16] =	ssyncset.done $0x0  }
0x15e: {  	[sflag:s16] =	ssyncadd.s32 $0xFFFFFF80  }
0x15f: {  	_ =	swait.ge [sflag:s16], $0x80  }
0x160: {  	[sflag:s16] =	ssyncset.done $0x0  }
0x161: {  	[sflag:s16] =	ssyncadd.s32 $0xFFFFFF80  }
0x162: {  	_ =	swait.ge [sflag:s21], $0x80  }
0x163: {  	[sflag:s21] =	ssyncset.done $0x0  }
0x164: {  	[sflag:s21] =	ssyncadd.s32 $0xFFFFFF80  }
0x165: {  	_ =	swait.ge [sflag:s21], $0x80  }
0x166: {  	s2 =	simm.s32 $0xC600;
	[sflag:s21] =	ssyncset.done $0x0  }
0x167: {  	s25 =	simm.s32 $0xD;
	s7 =	rddreg [dreg:$0x1e];
	[sflag:s21] =	ssyncadd.s32 $0xFFFFFF80  }
0x168: {  	[tilespmem:s2], [sflag:$0xD] =	stream.linear.gather [hbm4b:s7+s5], $0x10, $0x38;
	[tilespmem:$0x1FF80] =	vst v63  }
0x169: {  	_ =	swait.ge [sflag:s25], $0x10  }
0x16a: {  	[sflag:s25] =	ssyncset.done $0x0  }
0x16b: {  	s6 =	simm.s32 $0xC680;
	s17 =	rddreg [dreg:$0x1f];
	[sflag:s25] =	ssyncadd.s32 $0xFFFFFFF0  }
0x16c: {  	[tilespmem:s6], [sflag:$0xD] =	stream.linear.gather [hbm4b:s17+s5], $0x10, $0x38;
	[tilespmem:$0x1FF80] =	vst v63  }
0x16d: {  	_ =	swait.ge [sflag:s25], $0x10  }
0x16e: {  	[sflag:s25] =	ssyncset.done $0x0  }
0x16f: {  	s18 =	simm.s32 $0x10;
	[sflag:s25] =	ssyncadd.s32 $0xFFFFFFF0  }
0x170: {  	[tilespmem:s9], [sflag:$0x1] =	stream.indirect.gather [hbm4b:s3+s18], $0x80, s2, s18, $0xb8;
	[tilespmem:$0x1FF80] =	vst v63  }
0x171: {  	_ =	swait.ge [sflag:s14], $0x800  }
0x172: {  	[sflag:s14] =	ssyncset.done $0x0  }
0x173: {  	[sflag:s14] =	ssyncadd.s32 $0xFFFFF800  }
0x174: {  	[spmem:s4] =	stream.indirect.scatter.add.f32 [tilespmem:s9], [sflag:$0xD], $0x80, s6, s18, $0xb8;
	[tilespmem:$0x1FF80] =	vst v63  }
0x175: {  	_ =	swait.ge [sflag:s25], $0x800  }
0x176: {  	[sflag:s25] =	ssyncset.done $0x0  }
0x177: {  	[sflag:s25] =	ssyncadd.s32 $0xFFFFF800  }
0x178: {  	s22 =	stileid.u32;
	[bflag:$0x0] =	sbarrier.arrive $0xFFFF  }
0x179: {  	s0 =	sshll.u32 s22, $0x6;
	s31 =	rddreg [dreg:$0x18]  }
0x17a: {  	s0 =	sor.u32 $0x1C0D, s0;
	s28 =	rddreg [dreg:$0x1b];
	s23 =	sshrl.u32 s31, $0x3  }
0x17b: {  	[hbm:s28], [sflag:s0] =	dma.local [spmem:s23], $0x2700  }
0x17c: {  	_ =	swait.ge [sflag:s25], $0x2700  }
0x17d: {  	s6 =	sld [smem:$0x7FC]  }
0x17e: {  	s28 =	sld [smem:$0x7F9]  }
0x17f: {  	[sflag:s25] =	ssyncset.done $0x0  }
0x180: {  	[sflag:s25] =	ssyncadd.s32 $0xFFFFD900;
	s6 =	sshrl.u32 @!p0 s6, $0x3  }
0x181: {  	[hbm:s28], [sflag:s0] =	dma.local @!p0 [spmem:s6], $0x100  }
0x182: {  	s0 =	simm.s32 @!p0 $0xD  }
0x183: {  	_ =	swait.ge @!p0 [sflag:s0], $0x100  }
0x184: {  	s28 =	sld [smem:$0x7FD]  }
0x185: {  	s30 =	sld [smem:$0x7FA];
	_ =	sdelay $0x1  }
0x186: {  	s2 =	sadd.s32 $0x1, s28  }
0x187: {  	p1 =	sne.s32 s2, s30  }
.Ltmp2:
0x188: {  	_ = 	snop;
	(pc) =	sbr.rel @p1 .LBB2_1-.Ltmp2, $4  }
0x189: {  	s22 =	simm.s32 $0x180  }
0x18a: {  	s1 =	simm.s32 $0x4600;
	s7 =	simm.s32 $0x380;
	s17 =	simm.s32 $0x100  }
0x18b: {  	s18 =	simm.s32 $0x400;
	s23 =	simm.s32 $0x480;
	[sflag:s0] =	ssyncset.done @!p0 $0x0  }
0x18c: {  	[sflag:s0] =	ssyncadd.s32 @!p0 $0xFFFFFF00;
	[smem:$0x7FD] =	sst s2;
	s2 =	simm.s32 $0x300  }
0x18d: {  	_ =	sfence.sel $0x180000  }
0x18e: {  	[bflag:$0x0] =	sbarrier.arrive $0xFFFF  }
0x18f: {  	_ =	strace $0x90000047  }
0x190: {  	s0 =	stileid.u32;
	[bflag:$0x2] =	sbarrier.arrive $0xFFFF  }
0x191: {  	p0 =	sne.s32 s0, $0x0;
	s0 =	rddreg [dreg:$0x4]  }
0x192: {  	s0 =	sadd.s32 @!p0 $0x100000, s0  }
0x193: {  	[sflag:s0] =	ssyncadd.tile.s32 @!p0 $0x1;
	_ =	shalt  }
.Lfunc_end2:
_tile_overlayer_lowered:
.L_overlay_start_2:
0x194: {  	(tag) =	ssettag $0x2  }
0x195: {  	s0 =	rddreg [dreg:$0x0];
	s2 =	stileid.u32  }
0x196: {  	s1 =	rddreg [dreg:$0x1];
	p0 =	sne.s32 s2, $0x0  }
0x197: {  	s3 =	rddreg [dreg:$0x2];
	[bflag:$0x3] =	sbarrier.arrive $0xFFFF;
	s2 =	simm.s32 @!p0 $0x1C0D  }
0x198: {  	[timem:s3], [sflag:s2] =	dma.local @!p0 [hbm:s0], s1  }
0x199: {  	s0 =	simm.s32 @!p0 $0xD  }
0x19a: {  	_ =	swait.ge @!p0 [sflag:s0], s1  }
0x19b: {  	s1 =	ssub.s32 @!p0 $0x0, s1;
	[sflag:s0] =	ssyncset.done @!p0 $0x0  }
0x19c: {  	[sflag:s0] =	ssyncadd.s32 @!p0 s1  }
0x19d: {  	[bflag:$0x3] =	sbarrier.arrive $0xFFFF  }
0x19e: {  	_ =	shalt  }

</sc_bundles>
